<compile_context>
chip_gen: v7x
topology: tpu7x:2x2x1
jax: 0.10.2.dev20260603
libtpu: 0.0.44.dev20260713+nightly
codegen_flags: <defaults>
</compile_context>

<pallas_src>
import math
import functools

import jax
import jax.numpy as jnp
from jax import lax
from jax.experimental import pallas as pl
from jax.experimental.pallas import tpu as pltpu
from jax.experimental.pallas import tpu_sc as plsc

_INFO = plsc.get_sparse_core_info()
_NC = _INFO.num_cores
_NS = _INFO.num_subcores
_NW = _NC * _NS
_LANES = _INFO.num_lanes


def _pe_table(max_length, d):
    position = jnp.arange(max_length, dtype=jnp.float32)[:, None]
    col = jnp.arange(d, dtype=jnp.int32)
    div_term = jnp.exp((col // 2 * 2).astype(jnp.float32)
                       * (-math.log(10000.0) / d))
    arg = position * div_term
    return jnp.where((col % 2) == 0, jnp.sin(arg), jnp.cos(arg))


def _build_fused_table(token_embedding, pe, scale):
    V, D = token_embedding.shape
    L = pe.shape[0]

    rows = V * L
    rows_pad = rows + (-rows) % (8 * _NS)

    def body(emb_ref, pe_ref, out_ref):
        pe_block = pe_ref[...]
        for t in range(V):
            out_ref[pl.ds(t * L, L), :] = emb_ref[t] * scale + pe_block
        if rows_pad > rows:
            out_ref[pl.ds(rows, rows_pad - rows), :] = jnp.zeros(
                (rows_pad - rows, D), jnp.float32)

    return pl.pallas_call(
        body,
        out_shape=jax.ShapeDtypeStruct((rows_pad, D), jnp.float32),
    )(token_embedding, pe)


def _sc_lookup(input_tokens, fused, B, L):
    R, D = fused.shape
    seq_per_w = B // _NW
    rows_per_w = seq_per_w * L
    chunk = 128
    n_chunks = rows_per_w // chunk
    n_groups = seq_per_w // _LANES

    mesh = plsc.VectorSubcoreMesh(core_axis_name="c", subcore_axis_name="s")

    @functools.partial(
        pl.kernel,
        out_type=jax.ShapeDtypeStruct((B * L, D), jnp.float32),
        mesh=mesh,
        compiler_params=pltpu.CompilerParams(needs_layout_passes=False),
        scratch_types=[
            pltpu.VMEM((seq_per_w * L,), jnp.int32),
            pltpu.VMEM((n_chunks, chunk), jnp.int32),
            pltpu.VMEM_SHARED((R, D), jnp.float32),
            [pltpu.VMEM((chunk, D), jnp.float32) for _ in range(2)],
            [pltpu.SemaphoreType.DMA for _ in range(2)],
            [pltpu.SemaphoreType.DMA for _ in range(2)],
            pltpu.SemaphoreType.DMA,
        ],
    )
    def sc_kernel(tok_hbm, fused_hbm, out_hbm, tok_v, idx_v, table_sp, bufs,
                  gsems, wsems, fsem):
        n_buf = len(bufs)
        sid = lax.axis_index("s")
        wid = sid * _NC + lax.axis_index("c")
        base_seq = wid * seq_per_w
        rows_per_sub = R // _NS
        fill = pltpu.async_copy(
            fused_hbm.at[pl.ds(sid * rows_per_sub, rows_per_sub)],
            table_sp.at[pl.ds(sid * rows_per_sub, rows_per_sub)], fsem)
        pltpu.sync_copy(
            tok_hbm.at[pl.ds(base_seq * L, seq_per_w * L)], tok_v)

        lane = lax.broadcasted_iota(jnp.int32, (_LANES,), 0)
        zeros = jnp.zeros((_LANES,), jnp.int32)

        bases = [(lane + g * _LANES) * L for g in range(n_groups)]
        p0s = []
        for base16 in bases:
            p0 = plsc.load_gather(tok_v, [base16])
            plsc.store_scatter(idx_v, [base16 >> 7, base16 & 127], p0 * L)
            p0s.append(p0)

        def step(j, carry):
            new = []
            for g in range(n_groups):
                p, nc, ev = carry[g]
                base16 = bases[g]
                c = plsc.load_gather(tok_v, [base16 + j])
                nc = jnp.where((c >= 36) & (c <= 41), 2, nc)
                change_lt12 = (p >= 12) | (nc > 0)
                change = jnp.where(c < 12, change_lt12, p < 12)
                nc = jnp.where(c < 12, nc - 1, nc)
                ev = ev + change.astype(jnp.int32)
                flat = base16 + j
                plsc.store_scatter(idx_v, [flat >> 7, flat & 127], c * L + ev)
                new.append((c, nc, ev))
            return tuple(new)

        lax.fori_loop(1, L, step,
                      tuple((p0, zeros, zeros) for p0 in p0s))

        out_base = wid * rows_per_w

        def start_gather(k, b):
            return pltpu.async_copy(
                table_sp.at[idx_v.at[k]], bufs[b], gsems[b])

        def start_write(k, b):
            return pltpu.async_copy(
                bufs[b], out_hbm.at[pl.ds(out_base + k * chunk, chunk)],
                wsems[b])

        def wait_gather(b):
            pltpu.make_async_copy(
                fused_hbm.at[pl.ds(0, chunk)], bufs[b], gsems[b]).wait()

        def wait_write(b):
            pltpu.make_async_copy(
                fused_hbm.at[pl.ds(0, chunk)], bufs[b], wsems[b]).wait()

        fill.wait()
        plsc.subcore_barrier()

        for b in range(n_buf):
            start_gather(b, b)
        wait_gather(0)
        start_write(0, 0)

        def pipe_body(k, _):
            for b in range(n_buf):

                @pl.when((k % n_buf) == b)
                def _():
                    wait_write(b)
                    start_gather(k, b)

            for b in range(n_buf):

                @pl.when(((k - 1) % n_buf) == b)
                def _():
                    wait_gather(b)
                    start_write(k - 1, b)

            return 0

        lax.fori_loop(n_buf, n_chunks, pipe_body, 0)
        for k in range(n_chunks - 1, n_chunks):
            b = k % n_buf
            wait_gather(b)
            start_write(k, b)
        for k in range(n_chunks - n_buf, n_chunks):
            wait_write(k % n_buf)

    return sc_kernel(input_tokens.reshape(B * L), fused)


def kernel(input_tokens, token_embedding):
    B, L = input_tokens.shape
    V, D = token_embedding.shape
    pe = _pe_table(L, D)
    fused = _build_fused_table(token_embedding, pe, math.sqrt(D))
    out = _sc_lookup(input_tokens, fused, B, L)
    return out.reshape(B, L, D)

# --- scband reference (transcript-rebuilt; emitter-appended) ---
"""Pipeline reference for scband-music-event-embedding-34926674051700 (READ-ONLY COPY).

The authoritative reference and input builder live on the scoring server;
editing this copy changes nothing except your own understanding.
"""

import math
import jax, jax.numpy as jnp
import numpy as np

VOCAB_SIZE = 44
EMBEDDING_DIM = 128
BATCH = 1024
SEQ_LEN = 200


def _positional_encoding(max_length, d):
    position = jnp.arange(max_length, dtype=jnp.float32)[:, None]
    div_term = jnp.exp(jnp.arange(0, d, 2, dtype=jnp.float32) * (-math.log(10000.0) / d))
    pe = jnp.zeros((max_length, d), dtype=jnp.float32)
    pe = pe.at[:, 0::2].set(jnp.sin(position * div_term))
    pe = pe.at[:, 1::2].set(jnp.cos(position * div_term))
    return pe


def _event_ids(seq):
    # Faithful translation of _detect_event_changes for one sequence.
    # Returns per-position event segment id (cumsum of change flags).
    def step(nc, cp):
        c, p = cp
        nc = jnp.where((c >= 36) & (c <= 41), jnp.int32(2), nc)
        change_lt12 = (p >= 12) | (nc > 0)
        change = jnp.where(c < 12, change_lt12, p < 12)
        nc = jnp.where(c < 12, nc - 1, nc)
        return nc, change

    cur = seq[1:]
    prev = seq[:-1]
    _, changes = jax.lax.scan(step, jnp.int32(0), (cur, prev))
    changes = jnp.concatenate([jnp.zeros((1,), dtype=bool), changes])
    return jnp.cumsum(changes.astype(jnp.int32))


def setup_inputs(seed: int = 0) -> dict:
    key = jax.random.key(seed)
    k1, k2 = jax.random.split(key)
    input_tokens = jax.random.randint(k1, (BATCH, SEQ_LEN), 0, VOCAB_SIZE, dtype=jnp.int32)
    token_embedding = jax.random.normal(k2, (VOCAB_SIZE, EMBEDDING_DIM), dtype=jnp.float32)
    return {"input_tokens": input_tokens, "token_embedding": token_embedding}


def reference(input_tokens, token_embedding):
    B, L = input_tokens.shape
    d = token_embedding.shape[1]
    # 1. detect event change points -> per-position segment id
    event_ids = jax.vmap(_event_ids)(input_tokens)
    # 2. positional encoding table (L rows is a safe upper bound on max_events_needed)
    pe = _positional_encoding(L, d)
    # 3. token embedding lookup scaled by sqrt(d)
    emb = jnp.take(token_embedding, input_tokens, axis=0) * math.sqrt(d)
    # 4. add segment-wise positional encoding (PE[0] before first change, PE[i+1] after i-th change)
    emb = emb + pe[event_ids]
    # dropout is identity at inference
    return emb

if __name__ == "__main__":
    import jax
    _d = setup_inputs()
    print(jax.jit(kernel)(*tuple(_d.values())))

</pallas_src>

<mosaic_0001>
#map = affine_map<(d0, d1) -> (0)>
#map1 = affine_map<(d0, d1) -> (0, 0)>
module attributes {stable_mosaic.version = 14 : i64} {
  func.func @sc_kernel(%arg0: i32, %arg1: i32, %arg2: memref<204800xi32, #tpu.memory_space<hbm>>, %arg3: memref<8832x128xf32, #tpu.memory_space<hbm>>, %arg4: memref<204800x128xf32, #tpu.memory_space<hbm>>, %arg5: memref<6400xi32, #tpu.memory_space<vmem>>, %arg6: memref<50x128xi32, #tpu.memory_space<vmem>>, %arg7: memref<8832x128xf32, #tpu.memory_space<vmem_shared>>, %arg8: memref<128x128xf32, #tpu.memory_space<vmem>>, %arg9: memref<128x128xf32, #tpu.memory_space<vmem>>, %arg10: memref<!tpu.dma_semaphore, #tpu.memory_space<semaphore_mem>>, %arg11: memref<!tpu.dma_semaphore, #tpu.memory_space<semaphore_mem>>, %arg12: memref<!tpu.dma_semaphore, #tpu.memory_space<semaphore_mem>>, %arg13: memref<!tpu.dma_semaphore, #tpu.memory_space<semaphore_mem>>, %arg14: memref<!tpu.dma_semaphore, #tpu.memory_space<semaphore_mem>>) attributes {dimension_semantics = [#tpu.dimension_semantics<core_parallel>, #tpu.dimension_semantics<subcore_parallel>], iteration_bounds = array<i64: 2, 16>, scalar_prefetch = 0 : i64, scratch_operands = 10 : i64, tpu.core_type = #tpu.core_type<sc_vector_subcore>, window_params = [{transform_indices = #map}, {transform_indices = #map1}, {transform_indices = #map1}]} {
    %mul3A = arith.constant 2 : i32
    %mul3A_0 = arith.muli %arg1, %mul3A : i32
    %add3A = arith.addi %mul3A_0, %arg0 : i32
    %mul3A_1 = arith.constant 32 : i32
    %mul3A_2 = arith.muli %add3A, %mul3A_1 : i32
    %mul3A_3 = arith.constant 552 : i32
    %mul3A_4 = arith.muli %arg1, %mul3A_3 : i32
    %mul3A_5 = arith.constant 552 : i32
    %mul3A_6 = arith.muli %arg1, %mul3A_5 : i32
    %dma_start3A = arith.constant 0 : i32
    %dma_start3A_7 = tpu.memref_slice %arg7[%mul3A_6, %dma_start3A] : memref<8832x128xf32, #tpu.memory_space<vmem_shared>> -> memref<552x128xf32, #tpu.memory_space<vmem_shared>>
    %dma_start3A_8 = arith.constant 0 : i32
    %dma_start3A_9 = tpu.memref_slice %arg3[%mul3A_4, %dma_start3A_8] : memref<8832x128xf32, #tpu.memory_space<hbm>> -> memref<552x128xf32, #tpu.memory_space<hbm>>
    tpu.enqueue_dma source(%dma_start3A_9 : memref<552x128xf32, #tpu.memory_space<hbm>>) target(%dma_start3A_7 : memref<552x128xf32, #tpu.memory_space<vmem_shared>>) target_semaphore(%arg14 : memref<!tpu.dma_semaphore, #tpu.memory_space<semaphore_mem>>)
    %mul3A_10 = arith.constant 200 : i32
    %mul3A_11 = arith.muli %mul3A_2, %mul3A_10 : i32
    "tpu.region"() ({
      %run_scoped3A = tpu.sem_alloc : memref<!tpu.dma_semaphore, #tpu.memory_space<semaphore_mem>>
      %dma_start3A_109 = tpu.memref_slice %arg2[%mul3A_11] : memref<204800xi32, #tpu.memory_space<hbm>> -> memref<6400xi32, #tpu.memory_space<hbm>>
      %dma_start3A_110 = tpu.memref_slice %arg2[%mul3A_11] : memref<204800xi32, #tpu.memory_space<hbm>> -> memref<6400xi32, #tpu.memory_space<hbm>>
      tpu.enqueue_dma source(%dma_start3A_110 : memref<6400xi32, #tpu.memory_space<hbm>>) target(%arg5 : memref<6400xi32, #tpu.memory_space<vmem>>) target_semaphore(%run_scoped3A : memref<!tpu.dma_semaphore, #tpu.memory_space<semaphore_mem>>)
      %dma_wait3A_111 = tpu.memref_slice %arg2[%mul3A_11] : memref<204800xi32, #tpu.memory_space<hbm>> -> memref<6400xi32, #tpu.memory_space<hbm>>
      %dma_wait3A_112 = tpu.memref_slice %arg2[%mul3A_11] : memref<204800xi32, #tpu.memory_space<hbm>> -> memref<6400xi32, #tpu.memory_space<hbm>>
      tpu.wait_dma2 semaphore(%run_scoped3A : memref<!tpu.dma_semaphore, #tpu.memory_space<semaphore_mem>>) src(%dma_wait3A_112 : memref<6400xi32, #tpu.memory_space<hbm>>) dst(%arg5 : memref<6400xi32, #tpu.memory_space<vmem>>)
      tpu.yield
    }) : () -> ()
    %iota3A = tpu.iota {dimensions = array<i32: 0>} : vector<16xi32>
    %broadcast_in_dim3A = arith.constant 0 : i32
    %broadcast_in_dim3A_12 = vector.broadcast %broadcast_in_dim3A : i32 to vector<16xi32>
    %add3A_13 = arith.constant 0 : i32
    %add3A_14 = vector.broadcast %add3A_13 : i32 to vector<16xi32>
    %add3A_15 = arith.addi %iota3A, %add3A_14 : vector<16xi32>
    %mul3A_16 = arith.constant 200 : i32
    %mul3A_17 = vector.broadcast %mul3A_16 : i32 to vector<16xi32>
    %mul3A_18 = arith.muli %add3A_15, %mul3A_17 : vector<16xi32>
    %add3A_19 = arith.constant 16 : i32
    %add3A_20 = vector.broadcast %add3A_19 : i32 to vector<16xi32>
    %add3A_21 = arith.addi %iota3A, %add3A_20 : vector<16xi32>
    %mul3A_22 = arith.constant 200 : i32
    %mul3A_23 = vector.broadcast %mul3A_22 : i32 to vector<16xi32>
    %mul3A_24 = arith.muli %add3A_21, %mul3A_23 : vector<16xi32>
    %gather3A = tpu.vector_load_idx %arg5[%mul3A_18] : memref<6400xi32, #tpu.memory_space<vmem>>[vector<16xi32>], vector<16xi32>,
    %shift_right_arithmetic3A = arith.constant 7 : i32
    %shift_right_arithmetic3A_25 = vector.broadcast %shift_right_arithmetic3A : i32 to vector<16xi32>
    %shift_right_arithmetic3A_26 = arith.shrsi %mul3A_18, %shift_right_arithmetic3A_25 : vector<16xi32>
    %and3A = arith.constant 127 : i32
    %and3A_27 = vector.broadcast %and3A : i32 to vector<16xi32>
    %and3A_28 = arith.andi %mul3A_18, %and3A_27 : vector<16xi32>
    %mul3A_29 = arith.constant 200 : i32
    %mul3A_30 = vector.broadcast %mul3A_29 : i32 to vector<16xi32>
    %mul3A_31 = arith.muli %gather3A, %mul3A_30 : vector<16xi32>
    tpu.vector_store_idx %arg6[%shift_right_arithmetic3A_26, %and3A_28], %mul3A_31 : memref<50x128xi32, #tpu.memory_space<vmem>>[vector<16xi32>, vector<16xi32>], vector<16xi32>,
    %gather3A_32 = tpu.vector_load_idx %arg5[%mul3A_24] : memref<6400xi32, #tpu.memory_space<vmem>>[vector<16xi32>], vector<16xi32>,
    %shift_right_arithmetic3A_33 = arith.constant 7 : i32
    %shift_right_arithmetic3A_34 = vector.broadcast %shift_right_arithmetic3A_33 : i32 to vector<16xi32>
    %shift_right_arithmetic3A_35 = arith.shrsi %mul3A_24, %shift_right_arithmetic3A_34 : vector<16xi32>
    %and3A_36 = arith.constant 127 : i32
    %and3A_37 = vector.broadcast %and3A_36 : i32 to vector<16xi32>
    %and3A_38 = arith.andi %mul3A_24, %and3A_37 : vector<16xi32>
    %mul3A_39 = arith.constant 200 : i32
    %mul3A_40 = vector.broadcast %mul3A_39 : i32 to vector<16xi32>
    %mul3A_41 = arith.muli %gather3A_32, %mul3A_40 : vector<16xi32>
    tpu.vector_store_idx %arg6[%shift_right_arithmetic3A_35, %and3A_38], %mul3A_41 : memref<50x128xi32, #tpu.memory_space<vmem>>[vector<16xi32>, vector<16xi32>], vector<16xi32>,
    %scan3A = arith.constant 1 : i32
    %scan3A_42 = arith.constant 199 : i32
    %scan3A_43 = arith.addi %scan3A, %scan3A_42 : i32
    %scan3A_44 = arith.constant 1 : i32
    %scan3A_45:6 = scf.for %scan3A_109 = %scan3A to %scan3A_43 step %scan3A_44 iter_args(%scan3A_110 = %gather3A, %scan3A_111 = %broadcast_in_dim3A_12, %scan3A_112 = %broadcast_in_dim3A_12, %scan3A_113 = %gather3A_32, %scan3A_114 = %broadcast_in_dim3A_12, %scan3A_115 = %broadcast_in_dim3A_12) -> (vector<16xi32>, vector<16xi32>, vector<16xi32>, vector<16xi32>, vector<16xi32>, vector<16xi32>)  : i32 {
      %add3A_116 = vector.broadcast %scan3A_109 : i32 to vector<16xi32>
      %add3A_117 = arith.addi %mul3A_18, %add3A_116 : vector<16xi32>
      %gather3A_118 = tpu.vector_load_idx %arg5[%add3A_117] : memref<6400xi32, #tpu.memory_space<vmem>>[vector<16xi32>], vector<16xi32>,
      %ge3A = arith.constant 36 : i32
      %ge3A_119 = vector.broadcast %ge3A : i32 to vector<16xi32>
      %ge3A_120 = arith.cmpi sge, %gather3A_118, %ge3A_119 : vector<16xi32>
      %le3A = arith.constant 41 : i32
      %le3A_121 = vector.broadcast %le3A : i32 to vector<16xi32>
      %le3A_122 = arith.cmpi sle, %gather3A_118, %le3A_121 : vector<16xi32>
      %and3A_123 = arith.andi %ge3A_120, %le3A_122 : vector<16xi1>
      %jit3A = arith.constant 2 : i32
      %broadcast_in_dim3A_124 = vector.broadcast %jit3A : i32 to vector<16xi32>
      %select_n3A = arith.select %and3A_123, %broadcast_in_dim3A_124, %scan3A_111 : vector<16xi1>, vector<16xi32>
      %ge3A_125 = arith.constant 12 : i32
      %ge3A_126 = vector.broadcast %ge3A_125 : i32 to vector<16xi32>
      %ge3A_127 = arith.cmpi sge, %scan3A_110, %ge3A_126 : vector<16xi32>
      %gt3A = arith.constant 0 : i32
      %gt3A_128 = vector.broadcast %gt3A : i32 to vector<16xi32>
      %gt3A_129 = arith.cmpi sgt, %select_n3A, %gt3A_128 : vector<16xi32>
      %or3A = arith.ori %ge3A_127, %gt3A_129 : vector<16xi1>
      %lt3A = arith.constant 12 : i32
      %lt3A_130 = vector.broadcast %lt3A : i32 to vector<16xi32>
      %lt3A_131 = arith.cmpi slt, %gather3A_118, %lt3A_130 : vector<16xi32>
      %lt3A_132 = arith.constant 12 : i32
      %lt3A_133 = vector.broadcast %lt3A_132 : i32 to vector<16xi32>
      %lt3A_134 = arith.cmpi slt, %scan3A_110, %lt3A_133 : vector<16xi32>
      %select_n3A_135 = arith.select %lt3A_131, %or3A, %lt3A_134 : vector<16xi1>, vector<16xi1>
      %lt3A_136 = arith.constant 12 : i32
      %lt3A_137 = vector.broadcast %lt3A_136 : i32 to vector<16xi32>
      %lt3A_138 = arith.cmpi slt, %gather3A_118, %lt3A_137 : vector<16xi32>
      %sub3A = arith.constant 1 : i32
      %sub3A_139 = vector.broadcast %sub3A : i32 to vector<16xi32>
      %sub3A_140 = arith.subi %select_n3A, %sub3A_139 : vector<16xi32>
      %select_n3A_141 = arith.select %lt3A_138, %sub3A_140, %select_n3A : vector<16xi1>, vector<16xi32>
      %convert_element_type3A = arith.extui %select_n3A_135 : vector<16xi1> to vector<16xi32>
      %add3A_142 = arith.addi %scan3A_112, %convert_element_type3A : vector<16xi32>
      %add3A_143 = vector.broadcast %scan3A_109 : i32 to vector<16xi32>
      %add3A_144 = arith.addi %mul3A_18, %add3A_143 : vector<16xi32>
      %shift_right_arithmetic3A_145 = arith.constant 7 : i32
      %shift_right_arithmetic3A_146 = vector.broadcast %shift_right_arithmetic3A_145 : i32 to vector<16xi32>
      %shift_right_arithmetic3A_147 = arith.shrsi %add3A_144, %shift_right_arithmetic3A_146 : vector<16xi32>
      %and3A_148 = arith.constant 127 : i32
      %and3A_149 = vector.broadcast %and3A_148 : i32 to vector<16xi32>
      %and3A_150 = arith.andi %add3A_144, %and3A_149 : vector<16xi32>
      %mul3A_151 = arith.constant 200 : i32
      %mul3A_152 = vector.broadcast %mul3A_151 : i32 to vector<16xi32>
      %mul3A_153 = arith.muli %gather3A_118, %mul3A_152 : vector<16xi32>
      %add3A_154 = arith.addi %mul3A_153, %add3A_142 : vector<16xi32>
      tpu.vector_store_idx %arg6[%shift_right_arithmetic3A_147, %and3A_150], %add3A_154 : memref<50x128xi32, #tpu.memory_space<vmem>>[vector<16xi32>, vector<16xi32>], vector<16xi32>,
      %add3A_155 = vector.broadcast %scan3A_109 : i32 to vector<16xi32>
      %add3A_156 = arith.addi %mul3A_24, %add3A_155 : vector<16xi32>
      %gather3A_157 = tpu.vector_load_idx %arg5[%add3A_156] : memref<6400xi32, #tpu.memory_space<vmem>>[vector<16xi32>], vector<16xi32>,
      %ge3A_158 = arith.constant 36 : i32
      %ge3A_159 = vector.broadcast %ge3A_158 : i32 to vector<16xi32>
      %ge3A_160 = arith.cmpi sge, %gather3A_157, %ge3A_159 : vector<16xi32>
      %le3A_161 = arith.constant 41 : i32
      %le3A_162 = vector.broadcast %le3A_161 : i32 to vector<16xi32>
      %le3A_163 = arith.cmpi sle, %gather3A_157, %le3A_162 : vector<16xi32>
      %and3A_164 = arith.andi %ge3A_160, %le3A_163 : vector<16xi1>
      %jit3A_165 = arith.constant 2 : i32
      %broadcast_in_dim3A_166 = vector.broadcast %jit3A_165 : i32 to vector<16xi32>
      %select_n3A_167 = arith.select %and3A_164, %broadcast_in_dim3A_166, %scan3A_114 : vector<16xi1>, vector<16xi32>
      %ge3A_168 = arith.constant 12 : i32
      %ge3A_169 = vector.broadcast %ge3A_168 : i32 to vector<16xi32>
      %ge3A_170 = arith.cmpi sge, %scan3A_113, %ge3A_169 : vector<16xi32>
      %gt3A_171 = arith.constant 0 : i32
      %gt3A_172 = vector.broadcast %gt3A_171 : i32 to vector<16xi32>
      %gt3A_173 = arith.cmpi sgt, %select_n3A_167, %gt3A_172 : vector<16xi32>
      %or3A_174 = arith.ori %ge3A_170, %gt3A_173 : vector<16xi1>
      %lt3A_175 = arith.constant 12 : i32
      %lt3A_176 = vector.broadcast %lt3A_175 : i32 to vector<16xi32>
      %lt3A_177 = arith.cmpi slt, %gather3A_157, %lt3A_176 : vector<16xi32>
      %lt3A_178 = arith.constant 12 : i32
      %lt3A_179 = vector.broadcast %lt3A_178 : i32 to vector<16xi32>
      %lt3A_180 = arith.cmpi slt, %scan3A_113, %lt3A_179 : vector<16xi32>
      %select_n3A_181 = arith.select %lt3A_177, %or3A_174, %lt3A_180 : vector<16xi1>, vector<16xi1>
      %lt3A_182 = arith.constant 12 : i32
      %lt3A_183 = vector.broadcast %lt3A_182 : i32 to vector<16xi32>
      %lt3A_184 = arith.cmpi slt, %gather3A_157, %lt3A_183 : vector<16xi32>
      %sub3A_185 = arith.constant 1 : i32
      %sub3A_186 = vector.broadcast %sub3A_185 : i32 to vector<16xi32>
      %sub3A_187 = arith.subi %select_n3A_167, %sub3A_186 : vector<16xi32>
      %select_n3A_188 = arith.select %lt3A_184, %sub3A_187, %select_n3A_167 : vector<16xi1>, vector<16xi32>
      %convert_element_type3A_189 = arith.extui %select_n3A_181 : vector<16xi1> to vector<16xi32>
      %add3A_190 = arith.addi %scan3A_115, %convert_element_type3A_189 : vector<16xi32>
      %add3A_191 = vector.broadcast %scan3A_109 : i32 to vector<16xi32>
      %add3A_192 = arith.addi %mul3A_24, %add3A_191 : vector<16xi32>
      %shift_right_arithmetic3A_193 = arith.constant 7 : i32
      %shift_right_arithmetic3A_194 = vector.broadcast %shift_right_arithmetic3A_193 : i32 to vector<16xi32>
      %shift_right_arithmetic3A_195 = arith.shrsi %add3A_192, %shift_right_arithmetic3A_194 : vector<16xi32>
      %and3A_196 = arith.constant 127 : i32
      %and3A_197 = vector.broadcast %and3A_196 : i32 to vector<16xi32>
      %and3A_198 = arith.andi %add3A_192, %and3A_197 : vector<16xi32>
      %mul3A_199 = arith.constant 200 : i32
      %mul3A_200 = vector.broadcast %mul3A_199 : i32 to vector<16xi32>
      %mul3A_201 = arith.muli %gather3A_157, %mul3A_200 : vector<16xi32>
      %add3A_202 = arith.addi %mul3A_201, %add3A_190 : vector<16xi32>
      tpu.vector_store_idx %arg6[%shift_right_arithmetic3A_195, %and3A_198], %add3A_202 : memref<50x128xi32, #tpu.memory_space<vmem>>[vector<16xi32>, vector<16xi32>], vector<16xi32>,
      scf.yield %gather3A_118, %select_n3A_141, %add3A_142, %gather3A_157, %select_n3A_188, %add3A_190 : vector<16xi32>, vector<16xi32>, vector<16xi32>, vector<16xi32>, vector<16xi32>, vector<16xi32>
    }
    %scan3A_46 = arith.constant 199 : i32
    %mul3A_47 = arith.constant 6400 : i32
    %mul3A_48 = arith.muli %add3A, %mul3A_47 : i32
    %dma_wait3A = arith.constant 0 : i32
    %dma_wait3A_49 = tpu.memref_slice %arg7[%mul3A_6, %dma_wait3A] : memref<8832x128xf32, #tpu.memory_space<vmem_shared>> -> memref<552x128xf32, #tpu.memory_space<vmem_shared>>
    %dma_wait3A_50 = arith.constant 0 : i32
    %dma_wait3A_51 = tpu.memref_slice %arg3[%mul3A_4, %dma_wait3A_50] : memref<8832x128xf32, #tpu.memory_space<hbm>> -> memref<552x128xf32, #tpu.memory_space<hbm>>
    tpu.wait_dma2 semaphore(%arg14 : memref<!tpu.dma_semaphore, #tpu.memory_space<semaphore_mem>>) src(%dma_wait3A_51 : memref<552x128xf32, #tpu.memory_space<hbm>>) dst(%dma_wait3A_49 : memref<552x128xf32, #tpu.memory_space<vmem_shared>>)
    %barrier3A = arith.constant 0 : index
    tpu.barrier barrier_id(%barrier3A)
    %dma_start3A_52 = arith.constant 0 : i32
    %dma_start3A_53 = arith.constant 0 : i32
    %dma_start3A_54 = tpu.memref_slice %arg6[%dma_start3A_52, %dma_start3A_53] : memref<50x128xi32, #tpu.memory_space<vmem>> -> memref<1x128xi32, #tpu.memory_space<vmem>>
    %dma_start3A_55 = tpu.memref_squeeze %dma_start3A_54 : memref<1x128xi32, #tpu.memory_space<vmem>> -> memref<128xi32, #tpu.memory_space<vmem>>
    %dma_start3A_56 = arith.constant 0 : i32
    %dma_start3A_57 = arith.constant 0 : i32
    %dma_start3A_58 = tpu.memref_slice %arg7[%dma_start3A_56, %dma_start3A_57] : memref<8832x128xf32, #tpu.memory_space<vmem_shared>> -> memref<8832x128xf32, #tpu.memory_space<vmem_shared>>
    tpu.enqueue_indirect_dma source(%dma_start3A_58 : memref<8832x128xf32, #tpu.memory_space<vmem_shared>>) target(%arg8 : memref<128x128xf32, #tpu.memory_space<vmem>>) offsets(%dma_start3A_55 : memref<128xi32, #tpu.memory_space<vmem>>) semaphore(%arg10 : memref<!tpu.dma_semaphore, #tpu.memory_space<semaphore_mem>>)
    %dma_start3A_59 = arith.constant 1 : i32
    %dma_start3A_60 = arith.constant 0 : i32
    %dma_start3A_61 = tpu.memref_slice %arg6[%dma_start3A_59, %dma_start3A_60] : memref<50x128xi32, #tpu.memory_space<vmem>> -> memref<1x128xi32, #tpu.memory_space<vmem>>
    %dma_start3A_62 = tpu.memref_squeeze %dma_start3A_61 : memref<1x128xi32, #tpu.memory_space<vmem>> -> memref<128xi32, #tpu.memory_space<vmem>>
    %dma_start3A_63 = arith.constant 0 : i32
    %dma_start3A_64 = arith.constant 0 : i32
    %dma_start3A_65 = tpu.memref_slice %arg7[%dma_start3A_63, %dma_start3A_64] : memref<8832x128xf32, #tpu.memory_space<vmem_shared>> -> memref<8832x128xf32, #tpu.memory_space<vmem_shared>>
    tpu.enqueue_indirect_dma source(%dma_start3A_65 : memref<8832x128xf32, #tpu.memory_space<vmem_shared>>) target(%arg9 : memref<128x128xf32, #tpu.memory_space<vmem>>) offsets(%dma_start3A_62 : memref<128xi32, #tpu.memory_space<vmem>>) semaphore(%arg11 : memref<!tpu.dma_semaphore, #tpu.memory_space<semaphore_mem>>)
    %dma_wait3A_66 = arith.constant 0 : i32
    %dma_wait3A_67 = arith.constant 0 : i32
    %dma_wait3A_68 = tpu.memref_slice %arg3[%dma_wait3A_66, %dma_wait3A_67] : memref<8832x128xf32, #tpu.memory_space<hbm>> -> memref<128x128xf32, #tpu.memory_space<hbm>>
    %dma_wait3A_69 = arith.constant 0 : i32
    %dma_wait3A_70 = arith.constant 0 : i32
    %dma_wait3A_71 = tpu.memref_slice %arg3[%dma_wait3A_69, %dma_wait3A_70] : memref<8832x128xf32, #tpu.memory_space<hbm>> -> memref<128x128xf32, #tpu.memory_space<hbm>>
    tpu.wait_dma2 semaphore(%arg10 : memref<!tpu.dma_semaphore, #tpu.memory_space<semaphore_mem>>) src(%dma_wait3A_71 : memref<128x128xf32, #tpu.memory_space<hbm>>) dst(%arg8 : memref<128x128xf32, #tpu.memory_space<vmem>>)
    %add3A_72 = arith.constant 0 : i32
    %add3A_73 = arith.addi %mul3A_48, %add3A_72 : i32
    %dma_start3A_74 = arith.constant 0 : i32
    %dma_start3A_75 = tpu.memref_slice %arg4[%add3A_73, %dma_start3A_74] : memref<204800x128xf32, #tpu.memory_space<hbm>> -> memref<128x128xf32, #tpu.memory_space<hbm>>
    %dma_start3A_76 = arith.constant 0 : i32
    %dma_start3A_77 = tpu.memref_slice %arg4[%add3A_73, %dma_start3A_76] : memref<204800x128xf32, #tpu.memory_space<hbm>> -> memref<128x128xf32, #tpu.memory_space<hbm>>
    tpu.enqueue_dma source(%arg8 : memref<128x128xf32, #tpu.memory_space<vmem>>) target(%dma_start3A_77 : memref<128x128xf32, #tpu.memory_space<hbm>>) target_semaphore(%arg12 : memref<!tpu.dma_semaphore, #tpu.memory_space<semaphore_mem>>)
    %scan3A_78 = arith.constant 0 : i32
    %scan3A_79 = arith.constant 2 : i32
    %scan3A_80 = arith.constant 48 : i32
    %scan3A_81 = arith.addi %scan3A_79, %scan3A_80 : i32
    %scan3A_82 = arith.constant 1 : i32
    %scan3A_83 = scf.for %scan3A_109 = %scan3A_79 to %scan3A_81 step %scan3A_82 iter_args(%scan3A_110 = %scan3A_78) -> (i32)  : i32 {
      %jit3A = arith.constant 2 : i32
      %eq3A = arith.constant 0 : i32
      %eq3A_111 = arith.cmpi eq, %jit3A, %eq3A : i32
      %jit3A_112 = arith.constant 1 : i32
      %select_n3A = arith.select %eq3A_111, %jit3A_112, %jit3A : i32
      %rem3A = arith.remsi %scan3A_109, %select_n3A : i32
      %ne3A = arith.constant 0 : i32
      %ne3A_113 = arith.cmpi ne, %rem3A, %ne3A : i32
      %lt3A = arith.constant 0 : i32
      %lt3A_114 = arith.cmpi slt, %rem3A, %lt3A : i32
      %lt3A_115 = arith.constant 0 : i32
      %lt3A_116 = arith.cmpi slt, %select_n3A, %lt3A_115 : i32
      %ne3A_117 = arith.xori %lt3A_114, %lt3A_116 : i1
      %and3A_118 = arith.andi %ne3A_117, %ne3A_113 : i1
      %add3A_119 = arith.addi %rem3A, %select_n3A : i32
      %select_n3A_120 = arith.select %and3A_118, %add3A_119, %rem3A : i32
      %eq3A_121 = arith.constant 0 : i32
      %eq3A_122 = arith.cmpi eq, %select_n3A_120, %eq3A_121 : i32
      %convert_element_type3A = arith.extui %eq3A_122 : i1 to i32
      %cond3A = arith.constant 0 : i32
      %cond3A_123 = arith.cmpi ne, %convert_element_type3A, %cond3A : i32
      scf.if %cond3A_123 {
        %dma_wait3A_191 = arith.constant 0 : i32
        %dma_wait3A_192 = arith.constant 0 : i32
        %dma_wait3A_193 = tpu.memref_slice %arg3[%dma_wait3A_191, %dma_wait3A_192] : memref<8832x128xf32, #tpu.memory_space<hbm>> -> memref<128x128xf32, #tpu.memory_space<hbm>>
        %dma_wait3A_194 = arith.constant 0 : i32
        %dma_wait3A_195 = arith.constant 0 : i32
        %dma_wait3A_196 = tpu.memref_slice %arg3[%dma_wait3A_194, %dma_wait3A_195] : memref<8832x128xf32, #tpu.memory_space<hbm>> -> memref<128x128xf32, #tpu.memory_space<hbm>>
        tpu.wait_dma2 semaphore(%arg12 : memref<!tpu.dma_semaphore, #tpu.memory_space<semaphore_mem>>) src(%dma_wait3A_196 : memref<128x128xf32, #tpu.memory_space<hbm>>) dst(%arg8 : memref<128x128xf32, #tpu.memory_space<vmem>>)
        %dma_start3A_197 = arith.constant 0 : i32
        %dma_start3A_198 = tpu.memref_slice %arg6[%scan3A_109, %dma_start3A_197] : memref<50x128xi32, #tpu.memory_space<vmem>> -> memref<1x128xi32, #tpu.memory_space<vmem>>
        %dma_start3A_199 = tpu.memref_squeeze %dma_start3A_198 : memref<1x128xi32, #tpu.memory_space<vmem>> -> memref<128xi32, #tpu.memory_space<vmem>>
        %dma_start3A_200 = arith.constant 0 : i32
        %dma_start3A_201 = arith.constant 0 : i32
        %dma_start3A_202 = tpu.memref_slice %arg7[%dma_start3A_200, %dma_start3A_201] : memref<8832x128xf32, #tpu.memory_space<vmem_shared>> -> memref<8832x128xf32, #tpu.memory_space<vmem_shared>>
        tpu.enqueue_indirect_dma source(%dma_start3A_202 : memref<8832x128xf32, #tpu.memory_space<vmem_shared>>) target(%arg8 : memref<128x128xf32, #tpu.memory_space<vmem>>) offsets(%dma_start3A_199 : memref<128xi32, #tpu.memory_space<vmem>>) semaphore(%arg10 : memref<!tpu.dma_semaphore, #tpu.memory_space<semaphore_mem>>)
      } else {
      }
      %jit3A_124 = arith.constant 2 : i32
      %eq3A_125 = arith.constant 0 : i32
      %eq3A_126 = arith.cmpi eq, %jit3A_124, %eq3A_125 : i32
      %jit3A_127 = arith.constant 1 : i32
      %select_n3A_128 = arith.select %eq3A_126, %jit3A_127, %jit3A_124 : i32
      %rem3A_129 = arith.remsi %scan3A_109, %select_n3A_128 : i32
      %ne3A_130 = arith.constant 0 : i32
      %ne3A_131 = arith.cmpi ne, %rem3A_129, %ne3A_130 : i32
      %lt3A_132 = arith.constant 0 : i32
      %lt3A_133 = arith.cmpi slt, %rem3A_129, %lt3A_132 : i32
      %lt3A_134 = arith.constant 0 : i32
      %lt3A_135 = arith.cmpi slt, %select_n3A_128, %lt3A_134 : i32
      %ne3A_136 = arith.xori %lt3A_133, %lt3A_135 : i1
      %and3A_137 = arith.andi %ne3A_136, %ne3A_131 : i1
      %add3A_138 = arith.addi %rem3A_129, %select_n3A_128 : i32
      %select_n3A_139 = arith.select %and3A_137, %add3A_138, %rem3A_129 : i32
      %eq3A_140 = arith.constant 1 : i32
      %eq3A_141 = arith.cmpi eq, %select_n3A_139, %eq3A_140 : i32
      %convert_element_type3A_142 = arith.extui %eq3A_141 : i1 to i32
      %cond3A_143 = arith.constant 0 : i32
      %cond3A_144 = arith.cmpi ne, %convert_element_type3A_142, %cond3A_143 : i32
      scf.if %cond3A_144 {
        %dma_wait3A_191 = arith.constant 0 : i32
        %dma_wait3A_192 = arith.constant 0 : i32
        %dma_wait3A_193 = tpu.memref_slice %arg3[%dma_wait3A_191, %dma_wait3A_192] : memref<8832x128xf32, #tpu.memory_space<hbm>> -> memref<128x128xf32, #tpu.memory_space<hbm>>
        %dma_wait3A_194 = arith.constant 0 : i32
        %dma_wait3A_195 = arith.constant 0 : i32
        %dma_wait3A_196 = tpu.memref_slice %arg3[%dma_wait3A_194, %dma_wait3A_195] : memref<8832x128xf32, #tpu.memory_space<hbm>> -> memref<128x128xf32, #tpu.memory_space<hbm>>
        tpu.wait_dma2 semaphore(%arg13 : memref<!tpu.dma_semaphore, #tpu.memory_space<semaphore_mem>>) src(%dma_wait3A_196 : memref<128x128xf32, #tpu.memory_space<hbm>>) dst(%arg9 : memref<128x128xf32, #tpu.memory_space<vmem>>)
        %dma_start3A_197 = arith.constant 0 : i32
        %dma_start3A_198 = tpu.memref_slice %arg6[%scan3A_109, %dma_start3A_197] : memref<50x128xi32, #tpu.memory_space<vmem>> -> memref<1x128xi32, #tpu.memory_space<vmem>>
        %dma_start3A_199 = tpu.memref_squeeze %dma_start3A_198 : memref<1x128xi32, #tpu.memory_space<vmem>> -> memref<128xi32, #tpu.memory_space<vmem>>
        %dma_start3A_200 = arith.constant 0 : i32
        %dma_start3A_201 = arith.constant 0 : i32
        %dma_start3A_202 = tpu.memref_slice %arg7[%dma_start3A_200, %dma_start3A_201] : memref<8832x128xf32, #tpu.memory_space<vmem_shared>> -> memref<8832x128xf32, #tpu.memory_space<vmem_shared>>
        tpu.enqueue_indirect_dma source(%dma_start3A_202 : memref<8832x128xf32, #tpu.memory_space<vmem_shared>>) target(%arg9 : memref<128x128xf32, #tpu.memory_space<vmem>>) offsets(%dma_start3A_199 : memref<128xi32, #tpu.memory_space<vmem>>) semaphore(%arg11 : memref<!tpu.dma_semaphore, #tpu.memory_space<semaphore_mem>>)
      } else {
      }
      %sub3A = arith.constant 1 : i32
      %sub3A_145 = arith.subi %scan3A_109, %sub3A : i32
      %jit3A_146 = arith.constant 2 : i32
      %eq3A_147 = arith.constant 0 : i32
      %eq3A_148 = arith.cmpi eq, %jit3A_146, %eq3A_147 : i32
      %jit3A_149 = arith.constant 1 : i32
      %select_n3A_150 = arith.select %eq3A_148, %jit3A_149, %jit3A_146 : i32
      %rem3A_151 = arith.remsi %sub3A_145, %select_n3A_150 : i32
      %ne3A_152 = arith.constant 0 : i32
      %ne3A_153 = arith.cmpi ne, %rem3A_151, %ne3A_152 : i32
      %lt3A_154 = arith.constant 0 : i32
      %lt3A_155 = arith.cmpi slt, %rem3A_151, %lt3A_154 : i32
      %lt3A_156 = arith.constant 0 : i32
      %lt3A_157 = arith.cmpi slt, %select_n3A_150, %lt3A_156 : i32
      %ne3A_158 = arith.xori %lt3A_155, %lt3A_157 : i1
      %and3A_159 = arith.andi %ne3A_158, %ne3A_153 : i1
      %add3A_160 = arith.addi %rem3A_151, %select_n3A_150 : i32
      %select_n3A_161 = arith.select %and3A_159, %add3A_160, %rem3A_151 : i32
      %eq3A_162 = arith.constant 0 : i32
      %eq3A_163 = arith.cmpi eq, %select_n3A_161, %eq3A_162 : i32
      %convert_element_type3A_164 = arith.extui %eq3A_163 : i1 to i32
      %cond3A_165 = arith.constant 0 : i32
      %cond3A_166 = arith.cmpi ne, %convert_element_type3A_164, %cond3A_165 : i32
      scf.if %cond3A_166 {
        %dma_wait3A_191 = arith.constant 0 : i32
        %dma_wait3A_192 = arith.constant 0 : i32
        %dma_wait3A_193 = tpu.memref_slice %arg3[%dma_wait3A_191, %dma_wait3A_192] : memref<8832x128xf32, #tpu.memory_space<hbm>> -> memref<128x128xf32, #tpu.memory_space<hbm>>
        %dma_wait3A_194 = arith.constant 0 : i32
        %dma_wait3A_195 = arith.constant 0 : i32
        %dma_wait3A_196 = tpu.memref_slice %arg3[%dma_wait3A_194, %dma_wait3A_195] : memref<8832x128xf32, #tpu.memory_space<hbm>> -> memref<128x128xf32, #tpu.memory_space<hbm>>
        tpu.wait_dma2 semaphore(%arg10 : memref<!tpu.dma_semaphore, #tpu.memory_space<semaphore_mem>>) src(%dma_wait3A_196 : memref<128x128xf32, #tpu.memory_space<hbm>>) dst(%arg8 : memref<128x128xf32, #tpu.memory_space<vmem>>)
        %sub3A_197 = arith.constant 1 : i32
        %sub3A_198 = arith.subi %scan3A_109, %sub3A_197 : i32
        %mul3A_199 = arith.constant 128 : i32
        %mul3A_200 = arith.muli %sub3A_198, %mul3A_199 : i32
        %add3A_201 = arith.addi %mul3A_48, %mul3A_200 : i32
        %dma_start3A_202 = arith.constant 0 : i32
        %dma_start3A_203 = tpu.memref_slice %arg4[%add3A_201, %dma_start3A_202] : memref<204800x128xf32, #tpu.memory_space<hbm>> -> memref<128x128xf32, #tpu.memory_space<hbm>>
        %dma_start3A_204 = arith.constant 0 : i32
        %dma_start3A_205 = tpu.memref_slice %arg4[%add3A_201, %dma_start3A_204] : memref<204800x128xf32, #tpu.memory_space<hbm>> -> memref<128x128xf32, #tpu.memory_space<hbm>>
        tpu.enqueue_dma source(%arg8 : memref<128x128xf32, #tpu.memory_space<vmem>>) target(%dma_start3A_205 : memref<128x128xf32, #tpu.memory_space<hbm>>) target_semaphore(%arg12 : memref<!tpu.dma_semaphore, #tpu.memory_space<semaphore_mem>>)
      } else {
      }
      %sub3A_167 = arith.constant 1 : i32
      %sub3A_168 = arith.subi %scan3A_109, %sub3A_167 : i32
      %jit3A_169 = arith.constant 2 : i32
      %eq3A_170 = arith.constant 0 : i32
      %eq3A_171 = arith.cmpi eq, %jit3A_169, %eq3A_170 : i32
      %jit3A_172 = arith.constant 1 : i32
      %select_n3A_173 = arith.select %eq3A_171, %jit3A_172, %jit3A_169 : i32
      %rem3A_174 = arith.remsi %sub3A_168, %select_n3A_173 : i32
      %ne3A_175 = arith.constant 0 : i32
      %ne3A_176 = arith.cmpi ne, %rem3A_174, %ne3A_175 : i32
      %lt3A_177 = arith.constant 0 : i32
      %lt3A_178 = arith.cmpi slt, %rem3A_174, %lt3A_177 : i32
      %lt3A_179 = arith.constant 0 : i32
      %lt3A_180 = arith.cmpi slt, %select_n3A_173, %lt3A_179 : i32
      %ne3A_181 = arith.xori %lt3A_178, %lt3A_180 : i1
      %and3A_182 = arith.andi %ne3A_181, %ne3A_176 : i1
      %add3A_183 = arith.addi %rem3A_174, %select_n3A_173 : i32
      %select_n3A_184 = arith.select %and3A_182, %add3A_183, %rem3A_174 : i32
      %eq3A_185 = arith.constant 1 : i32
      %eq3A_186 = arith.cmpi eq, %select_n3A_184, %eq3A_185 : i32
      %convert_element_type3A_187 = arith.extui %eq3A_186 : i1 to i32
      %cond3A_188 = arith.constant 0 : i32
      %cond3A_189 = arith.cmpi ne, %convert_element_type3A_187, %cond3A_188 : i32
      scf.if %cond3A_189 {
        %dma_wait3A_191 = arith.constant 0 : i32
        %dma_wait3A_192 = arith.constant 0 : i32
        %dma_wait3A_193 = tpu.memref_slice %arg3[%dma_wait3A_191, %dma_wait3A_192] : memref<8832x128xf32, #tpu.memory_space<hbm>> -> memref<128x128xf32, #tpu.memory_space<hbm>>
        %dma_wait3A_194 = arith.constant 0 : i32
        %dma_wait3A_195 = arith.constant 0 : i32
        %dma_wait3A_196 = tpu.memref_slice %arg3[%dma_wait3A_194, %dma_wait3A_195] : memref<8832x128xf32, #tpu.memory_space<hbm>> -> memref<128x128xf32, #tpu.memory_space<hbm>>
        tpu.wait_dma2 semaphore(%arg11 : memref<!tpu.dma_semaphore, #tpu.memory_space<semaphore_mem>>) src(%dma_wait3A_196 : memref<128x128xf32, #tpu.memory_space<hbm>>) dst(%arg9 : memref<128x128xf32, #tpu.memory_space<vmem>>)
        %sub3A_197 = arith.constant 1 : i32
        %sub3A_198 = arith.subi %scan3A_109, %sub3A_197 : i32
        %mul3A_199 = arith.constant 128 : i32
        %mul3A_200 = arith.muli %sub3A_198, %mul3A_199 : i32
        %add3A_201 = arith.addi %mul3A_48, %mul3A_200 : i32
        %dma_start3A_202 = arith.constant 0 : i32
        %dma_start3A_203 = tpu.memref_slice %arg4[%add3A_201, %dma_start3A_202] : memref<204800x128xf32, #tpu.memory_space<hbm>> -> memref<128x128xf32, #tpu.memory_space<hbm>>
        %dma_start3A_204 = arith.constant 0 : i32
        %dma_start3A_205 = tpu.memref_slice %arg4[%add3A_201, %dma_start3A_204] : memref<204800x128xf32, #tpu.memory_space<hbm>> -> memref<128x128xf32, #tpu.memory_space<hbm>>
        tpu.enqueue_dma source(%arg9 : memref<128x128xf32, #tpu.memory_space<vmem>>) target(%dma_start3A_205 : memref<128x128xf32, #tpu.memory_space<hbm>>) target_semaphore(%arg13 : memref<!tpu.dma_semaphore, #tpu.memory_space<semaphore_mem>>)
      } else {
      }
      %scan3A_190 = arith.constant 0 : i32
      scf.yield %scan3A_190 : i32
    }
    %scan3A_84 = arith.constant 48 : i32
    %dma_wait3A_85 = arith.constant 0 : i32
    %dma_wait3A_86 = arith.constant 0 : i32
    %dma_wait3A_87 = tpu.memref_slice %arg3[%dma_wait3A_85, %dma_wait3A_86] : memref<8832x128xf32, #tpu.memory_space<hbm>> -> memref<128x128xf32, #tpu.memory_space<hbm>>
    %dma_wait3A_88 = arith.constant 0 : i32
    %dma_wait3A_89 = arith.constant 0 : i32
    %dma_wait3A_90 = tpu.memref_slice %arg3[%dma_wait3A_88, %dma_wait3A_89] : memref<8832x128xf32, #tpu.memory_space<hbm>> -> memref<128x128xf32, #tpu.memory_space<hbm>>
    tpu.wait_dma2 semaphore(%arg11 : memref<!tpu.dma_semaphore, #tpu.memory_space<semaphore_mem>>) src(%dma_wait3A_90 : memref<128x128xf32, #tpu.memory_space<hbm>>) dst(%arg9 : memref<128x128xf32, #tpu.memory_space<vmem>>)
    %add3A_91 = arith.constant 6272 : i32
    %add3A_92 = arith.addi %mul3A_48, %add3A_91 : i32
    %dma_start3A_93 = arith.constant 0 : i32
    %dma_start3A_94 = tpu.memref_slice %arg4[%add3A_92, %dma_start3A_93] : memref<204800x128xf32, #tpu.memory_space<hbm>> -> memref<128x128xf32, #tpu.memory_space<hbm>>
    %dma_start3A_95 = arith.constant 0 : i32
    %dma_start3A_96 = tpu.memref_slice %arg4[%add3A_92, %dma_start3A_95] : memref<204800x128xf32, #tpu.memory_space<hbm>> -> memref<128x128xf32, #tpu.memory_space<hbm>>
    tpu.enqueue_dma source(%arg9 : memref<128x128xf32, #tpu.memory_space<vmem>>) target(%dma_start3A_96 : memref<128x128xf32, #tpu.memory_space<hbm>>) target_semaphore(%arg13 : memref<!tpu.dma_semaphore, #tpu.memory_space<semaphore_mem>>)
    %dma_wait3A_97 = arith.constant 0 : i32
    %dma_wait3A_98 = arith.constant 0 : i32
    %dma_wait3A_99 = tpu.memref_slice %arg3[%dma_wait3A_97, %dma_wait3A_98] : memref<8832x128xf32, #tpu.memory_space<hbm>> -> memref<128x128xf32, #tpu.memory_space<hbm>>
    %dma_wait3A_100 = arith.constant 0 : i32
    %dma_wait3A_101 = arith.constant 0 : i32
    %dma_wait3A_102 = tpu.memref_slice %arg3[%dma_wait3A_100, %dma_wait3A_101] : memref<8832x128xf32, #tpu.memory_space<hbm>> -> memref<128x128xf32, #tpu.memory_space<hbm>>
    tpu.wait_dma2 semaphore(%arg12 : memref<!tpu.dma_semaphore, #tpu.memory_space<semaphore_mem>>) src(%dma_wait3A_102 : memref<128x128xf32, #tpu.memory_space<hbm>>) dst(%arg8 : memref<128x128xf32, #tpu.memory_space<vmem>>)
    %dma_wait3A_103 = arith.constant 0 : i32
    %dma_wait3A_104 = arith.constant 0 : i32
    %dma_wait3A_105 = tpu.memref_slice %arg3[%dma_wait3A_103, %dma_wait3A_104] : memref<8832x128xf32, #tpu.memory_space<hbm>> -> memref<128x128xf32, #tpu.memory_space<hbm>>
    %dma_wait3A_106 = arith.constant 0 : i32
    %dma_wait3A_107 = arith.constant 0 : i32
    %dma_wait3A_108 = tpu.memref_slice %arg3[%dma_wait3A_106, %dma_wait3A_107] : memref<8832x128xf32, #tpu.memory_space<hbm>> -> memref<128x128xf32, #tpu.memory_space<hbm>>
    tpu.wait_dma2 semaphore(%arg13 : memref<!tpu.dma_semaphore, #tpu.memory_space<semaphore_mem>>) src(%dma_wait3A_108 : memref<128x128xf32, #tpu.memory_space<hbm>>) dst(%arg9 : memref<128x128xf32, #tpu.memory_space<vmem>>)
    return
  }
}

module attributes {stable_mosaic.version = 14 : i64} {
  func.func @body(%arg0: memref<44x128xf32, #tpu.memory_space<vmem>>, %arg1: memref<200x128xf32, #tpu.memory_space<vmem>>, %arg2: memref<8832x128xf32, #tpu.memory_space<vmem>>) attributes {dimension_semantics = [], scalar_prefetch = 0 : i64, scratch_operands = 0 : i64, tpu.core_type = #tpu.core_type<tc>} {
    %get3A = arith.constant 0 : index
    %get3A_0 = arith.constant 0 : index
    %get3A_1 = vector.load %arg1[%get3A, %get3A_0] : memref<200x128xf32, #tpu.memory_space<vmem>>, vector<200x128xf32>
    %get3A_2 = arith.constant 0 : index
    %get3A_3 = arith.constant 0 : index
    %get3A_4 = vector.load %arg0[%get3A_2, %get3A_3] : memref<44x128xf32, #tpu.memory_space<vmem>>, vector<1x128xf32>
    %get3A_5 = vector.shape_cast %get3A_4 : vector<1x128xf32> to vector<128xf32>
    %mul3A = arith.constant 11.3137083 : f32
    %mul3A_6 = vector.broadcast %mul3A : f32 to vector<128xf32>
    %mul3A_7 = arith.mulf %get3A_5, %mul3A_6 : vector<128xf32>
    %broadcast_in_dim3A = vector.shape_cast %mul3A_7 : vector<128xf32> to vector<1x128xf32>
    %add3A = vector.broadcast %broadcast_in_dim3A : vector<1x128xf32> to vector<200x128xf32>
    %add3A_8 = arith.addf %add3A, %get3A_1 : vector<200x128xf32>
    %swap3A = arith.constant 0 : index
    %swap3A_9 = arith.constant 0 : index
    %swap3A_10 = vector.load %arg2[%swap3A, %swap3A_9] : memref<8832x128xf32, #tpu.memory_space<vmem>>, vector<200x128xf32>
    tpu.vector_store %arg2[%swap3A, %swap3A_9], %add3A_8 {strides = array<i32>} : memref<8832x128xf32, #tpu.memory_space<vmem>>, vector<200x128xf32>,
    %get3A_11 = arith.constant 1 : index
    %get3A_12 = arith.constant 0 : index
    %get3A_13 = vector.load %arg0[%get3A_11, %get3A_12] : memref<44x128xf32, #tpu.memory_space<vmem>>, vector<1x128xf32>
    %get3A_14 = vector.shape_cast %get3A_13 : vector<1x128xf32> to vector<128xf32>
    %mul3A_15 = arith.constant 11.3137083 : f32
    %mul3A_16 = vector.broadcast %mul3A_15 : f32 to vector<128xf32>
    %mul3A_17 = arith.mulf %get3A_14, %mul3A_16 : vector<128xf32>
    %broadcast_in_dim3A_18 = vector.shape_cast %mul3A_17 : vector<128xf32> to vector<1x128xf32>
    %add3A_19 = vector.broadcast %broadcast_in_dim3A_18 : vector<1x128xf32> to vector<200x128xf32>
    %add3A_20 = arith.addf %add3A_19, %get3A_1 : vector<200x128xf32>
    %swap3A_21 = arith.constant 200 : index
    %swap3A_22 = arith.constant 0 : index
    %swap3A_23 = vector.load %arg2[%swap3A_21, %swap3A_22] : memref<8832x128xf32, #tpu.memory_space<vmem>>, vector<200x128xf32>
    tpu.vector_store %arg2[%swap3A_21, %swap3A_22], %add3A_20 {strides = array<i32>} : memref<8832x128xf32, #tpu.memory_space<vmem>>, vector<200x128xf32>,
    %get3A_24 = arith.constant 2 : index
    %get3A_25 = arith.constant 0 : index
    %get3A_26 = vector.load %arg0[%get3A_24, %get3A_25] : memref<44x128xf32, #tpu.memory_space<vmem>>, vector<1x128xf32>
    %get3A_27 = vector.shape_cast %get3A_26 : vector<1x128xf32> to vector<128xf32>
    %mul3A_28 = arith.constant 11.3137083 : f32
    %mul3A_29 = vector.broadcast %mul3A_28 : f32 to vector<128xf32>
    %mul3A_30 = arith.mulf %get3A_27, %mul3A_29 : vector<128xf32>
    %broadcast_in_dim3A_31 = vector.shape_cast %mul3A_30 : vector<128xf32> to vector<1x128xf32>
    %add3A_32 = vector.broadcast %broadcast_in_dim3A_31 : vector<1x128xf32> to vector<200x128xf32>
    %add3A_33 = arith.addf %add3A_32, %get3A_1 : vector<200x128xf32>
    %swap3A_34 = arith.constant 400 : index
    %swap3A_35 = arith.constant 0 : index
    %swap3A_36 = vector.load %arg2[%swap3A_34, %swap3A_35] : memref<8832x128xf32, #tpu.memory_space<vmem>>, vector<200x128xf32>
    tpu.vector_store %arg2[%swap3A_34, %swap3A_35], %add3A_33 {strides = array<i32>} : memref<8832x128xf32, #tpu.memory_space<vmem>>, vector<200x128xf32>,
    %get3A_37 = arith.constant 3 : index
    %get3A_38 = arith.constant 0 : index
    %get3A_39 = vector.load %arg0[%get3A_37, %get3A_38] : memref<44x128xf32, #tpu.memory_space<vmem>>, vector<1x128xf32>
    %get3A_40 = vector.shape_cast %get3A_39 : vector<1x128xf32> to vector<128xf32>
    %mul3A_41 = arith.constant 11.3137083 : f32
    %mul3A_42 = vector.broadcast %mul3A_41 : f32 to vector<128xf32>
    %mul3A_43 = arith.mulf %get3A_40, %mul3A_42 : vector<128xf32>
    %broadcast_in_dim3A_44 = vector.shape_cast %mul3A_43 : vector<128xf32> to vector<1x128xf32>
    %add3A_45 = vector.broadcast %broadcast_in_dim3A_44 : vector<1x128xf32> to vector<200x128xf32>
    %add3A_46 = arith.addf %add3A_45, %get3A_1 : vector<200x128xf32>
    %swap3A_47 = arith.constant 600 : index
    %swap3A_48 = arith.constant 0 : index
    %swap3A_49 = vector.load %arg2[%swap3A_47, %swap3A_48] : memref<8832x128xf32, #tpu.memory_space<vmem>>, vector<200x128xf32>
    tpu.vector_store %arg2[%swap3A_47, %swap3A_48], %add3A_46 {strides = array<i32>} : memref<8832x128xf32, #tpu.memory_space<vmem>>, vector<200x128xf32>,
    %get3A_50 = arith.constant 4 : index
    %get3A_51 = arith.constant 0 : index
    %get3A_52 = vector.load %arg0[%get3A_50, %get3A_51] : memref<44x128xf32, #tpu.memory_space<vmem>>, vector<1x128xf32>
    %get3A_53 = vector.shape_cast %get3A_52 : vector<1x128xf32> to vector<128xf32>
    %mul3A_54 = arith.constant 11.3137083 : f32
    %mul3A_55 = vector.broadcast %mul3A_54 : f32 to vector<128xf32>
    %mul3A_56 = arith.mulf %get3A_53, %mul3A_55 : vector<128xf32>
    %broadcast_in_dim3A_57 = vector.shape_cast %mul3A_56 : vector<128xf32> to vector<1x128xf32>
    %add3A_58 = vector.broadcast %broadcast_in_dim3A_57 : vector<1x128xf32> to vector<200x128xf32>
    %add3A_59 = arith.addf %add3A_58, %get3A_1 : vector<200x128xf32>
    %swap3A_60 = arith.constant 800 : index
    %swap3A_61 = arith.constant 0 : index
    %swap3A_62 = vector.load %arg2[%swap3A_60, %swap3A_61] : memref<8832x128xf32, #tpu.memory_space<vmem>>, vector<200x128xf32>
    tpu.vector_store %arg2[%swap3A_60, %swap3A_61], %add3A_59 {strides = array<i32>} : memref<8832x128xf32, #tpu.memory_space<vmem>>, vector<200x128xf32>,
    %get3A_63 = arith.constant 5 : index
    %get3A_64 = arith.constant 0 : index
    %get3A_65 = vector.load %arg0[%get3A_63, %get3A_64] : memref<44x128xf32, #tpu.memory_space<vmem>>, vector<1x128xf32>
    %get3A_66 = vector.shape_cast %get3A_65 : vector<1x128xf32> to vector<128xf32>
    %mul3A_67 = arith.constant 11.3137083 : f32
    %mul3A_68 = vector.broadcast %mul3A_67 : f32 to vector<128xf32>
    %mul3A_69 = arith.mulf %get3A_66, %mul3A_68 : vector<128xf32>
    %broadcast_in_dim3A_70 = vector.shape_cast %mul3A_69 : vector<128xf32> to vector<1x128xf32>
    %add3A_71 = vector.broadcast %broadcast_in_dim3A_70 : vector<1x128xf32> to vector<200x128xf32>
    %add3A_72 = arith.addf %add3A_71, %get3A_1 : vector<200x128xf32>
    %swap3A_73 = arith.constant 1000 : index
    %swap3A_74 = arith.constant 0 : index
    %swap3A_75 = vector.load %arg2[%swap3A_73, %swap3A_74] : memref<8832x128xf32, #tpu.memory_space<vmem>>, vector<200x128xf32>
    tpu.vector_store %arg2[%swap3A_73, %swap3A_74], %add3A_72 {strides = array<i32>} : memref<8832x128xf32, #tpu.memory_space<vmem>>, vector<200x128xf32>,
    %get3A_76 = arith.constant 6 : index
    %get3A_77 = arith.constant 0 : index
    %get3A_78 = vector.load %arg0[%get3A_76, %get3A_77] : memref<44x128xf32, #tpu.memory_space<vmem>>, vector<1x128xf32>
    %get3A_79 = vector.shape_cast %get3A_78 : vector<1x128xf32> to vector<128xf32>
    %mul3A_80 = arith.constant 11.3137083 : f32
    %mul3A_81 = vector.broadcast %mul3A_80 : f32 to vector<128xf32>
    %mul3A_82 = arith.mulf %get3A_79, %mul3A_81 : vector<128xf32>
    %broadcast_in_dim3A_83 = vector.shape_cast %mul3A_82 : vector<128xf32> to vector<1x128xf32>
    %add3A_84 = vector.broadcast %broadcast_in_dim3A_83 : vector<1x128xf32> to vector<200x128xf32>
    %add3A_85 = arith.addf %add3A_84, %get3A_1 : vector<200x128xf32>
    %swap3A_86 = arith.constant 1200 : index
    %swap3A_87 = arith.constant 0 : index
    %swap3A_88 = vector.load %arg2[%swap3A_86, %swap3A_87] : memref<8832x128xf32, #tpu.memory_space<vmem>>, vector<200x128xf32>
    tpu.vector_store %arg2[%swap3A_86, %swap3A_87], %add3A_85 {strides = array<i32>} : memref<8832x128xf32, #tpu.memory_space<vmem>>, vector<200x128xf32>,
    %get3A_89 = arith.constant 7 : index
    %get3A_90 = arith.constant 0 : index
    %get3A_91 = vector.load %arg0[%get3A_89, %get3A_90] : memref<44x128xf32, #tpu.memory_space<vmem>>, vector<1x128xf32>
    %get3A_92 = vector.shape_cast %get3A_91 : vector<1x128xf32> to vector<128xf32>
    %mul3A_93 = arith.constant 11.3137083 : f32
    %mul3A_94 = vector.broadcast %mul3A_93 : f32 to vector<128xf32>
    %mul3A_95 = arith.mulf %get3A_92, %mul3A_94 : vector<128xf32>
    %broadcast_in_dim3A_96 = vector.shape_cast %mul3A_95 : vector<128xf32> to vector<1x128xf32>
    %add3A_97 = vector.broadcast %broadcast_in_dim3A_96 : vector<1x128xf32> to vector<200x128xf32>
    %add3A_98 = arith.addf %add3A_97, %get3A_1 : vector<200x128xf32>
    %swap3A_99 = arith.constant 1400 : index
    %swap3A_100 = arith.constant 0 : index
    %swap3A_101 = vector.load %arg2[%swap3A_99, %swap3A_100] : memref<8832x128xf32, #tpu.memory_space<vmem>>, vector<200x128xf32>
    tpu.vector_store %arg2[%swap3A_99, %swap3A_100], %add3A_98 {strides = array<i32>} : memref<8832x128xf32, #tpu.memory_space<vmem>>, vector<200x128xf32>,
    %get3A_102 = arith.constant 8 : index
    %get3A_103 = arith.constant 0 : index
    %get3A_104 = vector.load %arg0[%get3A_102, %get3A_103] : memref<44x128xf32, #tpu.memory_space<vmem>>, vector<1x128xf32>
    %get3A_105 = vector.shape_cast %get3A_104 : vector<1x128xf32> to vector<128xf32>
    %mul3A_106 = arith.constant 11.3137083 : f32
    %mul3A_107 = vector.broadcast %mul3A_106 : f32 to vector<128xf32>
    %mul3A_108 = arith.mulf %get3A_105, %mul3A_107 : vector<128xf32>
    %broadcast_in_dim3A_109 = vector.shape_cast %mul3A_108 : vector<128xf32> to vector<1x128xf32>
    %add3A_110 = vector.broadcast %broadcast_in_dim3A_109 : vector<1x128xf32> to vector<200x128xf32>
    %add3A_111 = arith.addf %add3A_110, %get3A_1 : vector<200x128xf32>
    %swap3A_112 = arith.constant 1600 : index
    %swap3A_113 = arith.constant 0 : index
    %swap3A_114 = vector.load %arg2[%swap3A_112, %swap3A_113] : memref<8832x128xf32, #tpu.memory_space<vmem>>, vector<200x128xf32>
    tpu.vector_store %arg2[%swap3A_112, %swap3A_113], %add3A_111 {strides = array<i32>} : memref<8832x128xf32, #tpu.memory_space<vmem>>, vector<200x128xf32>,
    %get3A_115 = arith.constant 9 : index
    %get3A_116 = arith.constant 0 : index
    %get3A_117 = vector.load %arg0[%get3A_115, %get3A_116] : memref<44x128xf32, #tpu.memory_space<vmem>>, vector<1x128xf32>
    %get3A_118 = vector.shape_cast %get3A_117 : vector<1x128xf32> to vector<128xf32>
    %mul3A_119 = arith.constant 11.3137083 : f32
    %mul3A_120 = vector.broadcast %mul3A_119 : f32 to vector<128xf32>
    %mul3A_121 = arith.mulf %get3A_118, %mul3A_120 : vector<128xf32>
    %broadcast_in_dim3A_122 = vector.shape_cast %mul3A_121 : vector<128xf32> to vector<1x128xf32>
    %add3A_123 = vector.broadcast %broadcast_in_dim3A_122 : vector<1x128xf32> to vector<200x128xf32>
    %add3A_124 = arith.addf %add3A_123, %get3A_1 : vector<200x128xf32>
    %swap3A_125 = arith.constant 1800 : index
    %swap3A_126 = arith.constant 0 : index
    %swap3A_127 = vector.load %arg2[%swap3A_125, %swap3A_126] : memref<8832x128xf32, #tpu.memory_space<vmem>>, vector<200x128xf32>
    tpu.vector_store %arg2[%swap3A_125, %swap3A_126], %add3A_124 {strides = array<i32>} : memref<8832x128xf32, #tpu.memory_space<vmem>>, vector<200x128xf32>,
    %get3A_128 = arith.constant 10 : index
    %get3A_129 = arith.constant 0 : index
    %get3A_130 = vector.load %arg0[%get3A_128, %get3A_129] : memref<44x128xf32, #tpu.memory_space<vmem>>, vector<1x128xf32>
    %get3A_131 = vector.shape_cast %get3A_130 : vector<1x128xf32> to vector<128xf32>
    %mul3A_132 = arith.constant 11.3137083 : f32
    %mul3A_133 = vector.broadcast %mul3A_132 : f32 to vector<128xf32>
    %mul3A_134 = arith.mulf %get3A_131, %mul3A_133 : vector<128xf32>
    %broadcast_in_dim3A_135 = vector.shape_cast %mul3A_134 : vector<128xf32> to vector<1x128xf32>
    %add3A_136 = vector.broadcast %broadcast_in_dim3A_135 : vector<1x128xf32> to vector<200x128xf32>
    %add3A_137 = arith.addf %add3A_136, %get3A_1 : vector<200x128xf32>
    %swap3A_138 = arith.constant 2000 : index
    %swap3A_139 = arith.constant 0 : index
    %swap3A_140 = vector.load %arg2[%swap3A_138, %swap3A_139] : memref<8832x128xf32, #tpu.memory_space<vmem>>, vector<200x128xf32>
    tpu.vector_store %arg2[%swap3A_138, %swap3A_139], %add3A_137 {strides = array<i32>} : memref<8832x128xf32, #tpu.memory_space<vmem>>, vector<200x128xf32>,
    %get3A_141 = arith.constant 11 : index
    %get3A_142 = arith.constant 0 : index
    %get3A_143 = vector.load %arg0[%get3A_141, %get3A_142] : memref<44x128xf32, #tpu.memory_space<vmem>>, vector<1x128xf32>
    %get3A_144 = vector.shape_cast %get3A_143 : vector<1x128xf32> to vector<128xf32>
    %mul3A_145 = arith.constant 11.3137083 : f32
    %mul3A_146 = vector.broadcast %mul3A_145 : f32 to vector<128xf32>
    %mul3A_147 = arith.mulf %get3A_144, %mul3A_146 : vector<128xf32>
    %broadcast_in_dim3A_148 = vector.shape_cast %mul3A_147 : vector<128xf32> to vector<1x128xf32>
    %add3A_149 = vector.broadcast %broadcast_in_dim3A_148 : vector<1x128xf32> to vector<200x128xf32>
    %add3A_150 = arith.addf %add3A_149, %get3A_1 : vector<200x128xf32>
    %swap3A_151 = arith.constant 2200 : index
    %swap3A_152 = arith.constant 0 : index
    %swap3A_153 = vector.load %arg2[%swap3A_151, %swap3A_152] : memref<8832x128xf32, #tpu.memory_space<vmem>>, vector<200x128xf32>
    tpu.vector_store %arg2[%swap3A_151, %swap3A_152], %add3A_150 {strides = array<i32>} : memref<8832x128xf32, #tpu.memory_space<vmem>>, vector<200x128xf32>,
    %get3A_154 = arith.constant 12 : index
    %get3A_155 = arith.constant 0 : index
    %get3A_156 = vector.load %arg0[%get3A_154, %get3A_155] : memref<44x128xf32, #tpu.memory_space<vmem>>, vector<1x128xf32>
    %get3A_157 = vector.shape_cast %get3A_156 : vector<1x128xf32> to vector<128xf32>
    %mul3A_158 = arith.constant 11.3137083 : f32
    %mul3A_159 = vector.broadcast %mul3A_158 : f32 to vector<128xf32>
    %mul3A_160 = arith.mulf %get3A_157, %mul3A_159 : vector<128xf32>
    %broadcast_in_dim3A_161 = vector.shape_cast %mul3A_160 : vector<128xf32> to vector<1x128xf32>
    %add3A_162 = vector.broadcast %broadcast_in_dim3A_161 : vector<1x128xf32> to vector<200x128xf32>
    %add3A_163 = arith.addf %add3A_162, %get3A_1 : vector<200x128xf32>
    %swap3A_164 = arith.constant 2400 : index
    %swap3A_165 = arith.constant 0 : index
    %swap3A_166 = vector.load %arg2[%swap3A_164, %swap3A_165] : memref<8832x128xf32, #tpu.memory_space<vmem>>, vector<200x128xf32>
    tpu.vector_store %arg2[%swap3A_164, %swap3A_165], %add3A_163 {strides = array<i32>} : memref<8832x128xf32, #tpu.memory_space<vmem>>, vector<200x128xf32>,
    %get3A_167 = arith.constant 13 : index
    %get3A_168 = arith.constant 0 : index
    %get3A_169 = vector.load %arg0[%get3A_167, %get3A_168] : memref<44x128xf32, #tpu.memory_space<vmem>>, vector<1x128xf32>
    %get3A_170 = vector.shape_cast %get3A_169 : vector<1x128xf32> to vector<128xf32>
    %mul3A_171 = arith.constant 11.3137083 : f32
    %mul3A_172 = vector.broadcast %mul3A_171 : f32 to vector<128xf32>
    %mul3A_173 = arith.mulf %get3A_170, %mul3A_172 : vector<128xf32>
    %broadcast_in_dim3A_174 = vector.shape_cast %mul3A_173 : vector<128xf32> to vector<1x128xf32>
    %add3A_175 = vector.broadcast %broadcast_in_dim3A_174 : vector<1x128xf32> to vector<200x128xf32>
    %add3A_176 = arith.addf %add3A_175, %get3A_1 : vector<200x128xf32>
    %swap3A_177 = arith.constant 2600 : index
    %swap3A_178 = arith.constant 0 : index
    %swap3A_179 = vector.load %arg2[%swap3A_177, %swap3A_178] : memref<8832x128xf32, #tpu.memory_space<vmem>>, vector<200x128xf32>
    tpu.vector_store %arg2[%swap3A_177, %swap3A_178], %add3A_176 {strides = array<i32>} : memref<8832x128xf32, #tpu.memory_space<vmem>>, vector<200x128xf32>,
    %get3A_180 = arith.constant 14 : index
    %get3A_181 = arith.constant 0 : index
    %get3A_182 = vector.load %arg0[%get3A_180, %get3A_181] : memref<44x128xf32, #tpu.memory_space<vmem>>, vector<1x128xf32>
    %get3A_183 = vector.shape_cast %get3A_182 : vector<1x128xf32> to vector<128xf32>
    %mul3A_184 = arith.constant 11.3137083 : f32
    %mul3A_185 = vector.broadcast %mul3A_184 : f32 to vector<128xf32>
    %mul3A_186 = arith.mulf %get3A_183, %mul3A_185 : vector<128xf32>
    %broadcast_in_dim3A_187 = vector.shape_cast %mul3A_186 : vector<128xf32> to vector<1x128xf32>
    %add3A_188 = vector.broadcast %broadcast_in_dim3A_187 : vector<1x128xf32> to vector<200x128xf32>
    %add3A_189 = arith.addf %add3A_188, %get3A_1 : vector<200x128xf32>
    %swap3A_190 = arith.constant 2800 : index
    %swap3A_191 = arith.constant 0 : index
    %swap3A_192 = vector.load %arg2[%swap3A_190, %swap3A_191] : memref<8832x128xf32, #tpu.memory_space<vmem>>, vector<200x128xf32>
    tpu.vector_store %arg2[%swap3A_190, %swap3A_191], %add3A_189 {strides = array<i32>} : memref<8832x128xf32, #tpu.memory_space<vmem>>, vector<200x128xf32>,
    %get3A_193 = arith.constant 15 : index
    %get3A_194 = arith.constant 0 : index
    %get3A_195 = vector.load %arg0[%get3A_193, %get3A_194] : memref<44x128xf32, #tpu.memory_space<vmem>>, vector<1x128xf32>
    %get3A_196 = vector.shape_cast %get3A_195 : vector<1x128xf32> to vector<128xf32>
    %mul3A_197 = arith.constant 11.3137083 : f32
    %mul3A_198 = vector.broadcast %mul3A_197 : f32 to vector<128xf32>
    %mul3A_199 = arith.mulf %get3A_196, %mul3A_198 : vector<128xf32>
    %broadcast_in_dim3A_200 = vector.shape_cast %mul3A_199 : vector<128xf32> to vector<1x128xf32>
    %add3A_201 = vector.broadcast %broadcast_in_dim3A_200 : vector<1x128xf32> to vector<200x128xf32>
    %add3A_202 = arith.addf %add3A_201, %get3A_1 : vector<200x128xf32>
    %swap3A_203 = arith.constant 3000 : index
    %swap3A_204 = arith.constant 0 : index
    %swap3A_205 = vector.load %arg2[%swap3A_203, %swap3A_204] : memref<8832x128xf32, #tpu.memory_space<vmem>>, vector<200x128xf32>
    tpu.vector_store %arg2[%swap3A_203, %swap3A_204], %add3A_202 {strides = array<i32>} : memref<8832x128xf32, #tpu.memory_space<vmem>>, vector<200x128xf32>,
    %get3A_206 = arith.constant 16 : index
    %get3A_207 = arith.constant 0 : index
    %get3A_208 = vector.load %arg0[%get3A_206, %get3A_207] : memref<44x128xf32, #tpu.memory_space<vmem>>, vector<1x128xf32>
    %get3A_209 = vector.shape_cast %get3A_208 : vector<1x128xf32> to vector<128xf32>
    %mul3A_210 = arith.constant 11.3137083 : f32
    %mul3A_211 = vector.broadcast %mul3A_210 : f32 to vector<128xf32>
    %mul3A_212 = arith.mulf %get3A_209, %mul3A_211 : vector<128xf32>
    %broadcast_in_dim3A_213 = vector.shape_cast %mul3A_212 : vector<128xf32> to vector<1x128xf32>
    %add3A_214 = vector.broadcast %broadcast_in_dim3A_213 : vector<1x128xf32> to vector<200x128xf32>
    %add3A_215 = arith.addf %add3A_214, %get3A_1 : vector<200x128xf32>
    %swap3A_216 = arith.constant 3200 : index
    %swap3A_217 = arith.constant 0 : index
    %swap3A_218 = vector.load %arg2[%swap3A_216, %swap3A_217] : memref<8832x128xf32, #tpu.memory_space<vmem>>, vector<200x128xf32>
    tpu.vector_store %arg2[%swap3A_216, %swap3A_217], %add3A_215 {strides = array<i32>} : memref<8832x128xf32, #tpu.memory_space<vmem>>, vector<200x128xf32>,
    %get3A_219 = arith.constant 17 : index
    %get3A_220 = arith.constant 0 : index
    %get3A_221 = vector.load %arg0[%get3A_219, %get3A_220] : memref<44x128xf32, #tpu.memory_space<vmem>>, vector<1x128xf32>
    %get3A_222 = vector.shape_cast %get3A_221 : vector<1x128xf32> to vector<128xf32>
    %mul3A_223 = arith.constant 11.3137083 : f32
    %mul3A_224 = vector.broadcast %mul3A_223 : f32 to vector<128xf32>
    %mul3A_225 = arith.mulf %get3A_222, %mul3A_224 : vector<128xf32>
    %broadcast_in_dim3A_226 = vector.shape_cast %mul3A_225 : vector<128xf32> to vector<1x128xf32>
    %add3A_227 = vector.broadcast %broadcast_in_dim3A_226 : vector<1x128xf32> to vector<200x128xf32>
    %add3A_228 = arith.addf %add3A_227, %get3A_1 : vector<200x128xf32>
    %swap3A_229 = arith.constant 3400 : index
    %swap3A_230 = arith.constant 0 : index
    %swap3A_231 = vector.load %arg2[%swap3A_229, %swap3A_230] : memref<8832x128xf32, #tpu.memory_space<vmem>>, vector<200x128xf32>
    tpu.vector_store %arg2[%swap3A_229, %swap3A_230], %add3A_228 {strides = array<i32>} : memref<8832x128xf32, #tpu.memory_space<vmem>>, vector<200x128xf32>,
    %get3A_232 = arith.constant 18 : index
    %get3A_233 = arith.constant 0 : index
    %get3A_234 = vector.load %arg0[%get3A_232, %get3A_233] : memref<44x128xf32, #tpu.memory_space<vmem>>, vector<1x128xf32>
    %get3A_235 = vector.shape_cast %get3A_234 : vector<1x128xf32> to vector<128xf32>
    %mul3A_236 = arith.constant 11.3137083 : f32
    %mul3A_237 = vector.broadcast %mul3A_236 : f32 to vector<128xf32>
    %mul3A_238 = arith.mulf %get3A_235, %mul3A_237 : vector<128xf32>
    %broadcast_in_dim3A_239 = vector.shape_cast %mul3A_238 : vector<128xf32> to vector<1x128xf32>
    %add3A_240 = vector.broadcast %broadcast_in_dim3A_239 : vector<1x128xf32> to vector<200x128xf32>
    %add3A_241 = arith.addf %add3A_240, %get3A_1 : vector<200x128xf32>
    %swap3A_242 = arith.constant 3600 : index
    %swap3A_243 = arith.constant 0 : index
    %swap3A_244 = vector.load %arg2[%swap3A_242, %swap3A_243] : memref<8832x128xf32, #tpu.memory_space<vmem>>, vector<200x128xf32>
    tpu.vector_store %arg2[%swap3A_242, %swap3A_243], %add3A_241 {strides = array<i32>} : memref<8832x128xf32, #tpu.memory_space<vmem>>, vector<200x128xf32>,
    %get3A_245 = arith.constant 19 : index
    %get3A_246 = arith.constant 0 : index
    %get3A_247 = vector.load %arg0[%get3A_245, %get3A_246] : memref<44x128xf32, #tpu.memory_space<vmem>>, vector<1x128xf32>
    %get3A_248 = vector.shape_cast %get3A_247 : vector<1x128xf32> to vector<128xf32>
    %mul3A_249 = arith.constant 11.3137083 : f32
    %mul3A_250 = vector.broadcast %mul3A_249 : f32 to vector<128xf32>
    %mul3A_251 = arith.mulf %get3A_248, %mul3A_250 : vector<128xf32>
    %broadcast_in_dim3A_252 = vector.shape_cast %mul3A_251 : vector<128xf32> to vector<1x128xf32>
    %add3A_253 = vector.broadcast %broadcast_in_dim3A_252 : vector<1x128xf32> to vector<200x128xf32>
    %add3A_254 = arith.addf %add3A_253, %get3A_1 : vector<200x128xf32>
    %swap3A_255 = arith.constant 3800 : index
    %swap3A_256 = arith.constant 0 : index
    %swap3A_257 = vector.load %arg2[%swap3A_255, %swap3A_256] : memref<8832x128xf32, #tpu.memory_space<vmem>>, vector<200x128xf32>
    tpu.vector_store %arg2[%swap3A_255, %swap3A_256], %add3A_254 {strides = array<i32>} : memref<8832x128xf32, #tpu.memory_space<vmem>>, vector<200x128xf32>,
    %get3A_258 = arith.constant 20 : index
    %get3A_259 = arith.constant 0 : index
    %get3A_260 = vector.load %arg0[%get3A_258, %get3A_259] : memref<44x128xf32, #tpu.memory_space<vmem>>, vector<1x128xf32>
    %get3A_261 = vector.shape_cast %get3A_260 : vector<1x128xf32> to vector<128xf32>
    %mul3A_262 = arith.constant 11.3137083 : f32
    %mul3A_263 = vector.broadcast %mul3A_262 : f32 to vector<128xf32>
    %mul3A_264 = arith.mulf %get3A_261, %mul3A_263 : vector<128xf32>
    %broadcast_in_dim3A_265 = vector.shape_cast %mul3A_264 : vector<128xf32> to vector<1x128xf32>
    %add3A_266 = vector.broadcast %broadcast_in_dim3A_265 : vector<1x128xf32> to vector<200x128xf32>
    %add3A_267 = arith.addf %add3A_266, %get3A_1 : vector<200x128xf32>
    %swap3A_268 = arith.constant 4000 : index
    %swap3A_269 = arith.constant 0 : index
    %swap3A_270 = vector.load %arg2[%swap3A_268, %swap3A_269] : memref<8832x128xf32, #tpu.memory_space<vmem>>, vector<200x128xf32>
    tpu.vector_store %arg2[%swap3A_268, %swap3A_269], %add3A_267 {strides = array<i32>} : memref<8832x128xf32, #tpu.memory_space<vmem>>, vector<200x128xf32>,
    %get3A_271 = arith.constant 21 : index
    %get3A_272 = arith.constant 0 : index
    %get3A_273 = vector.load %arg0[%get3A_271, %get3A_272] : memref<44x128xf32, #tpu.memory_space<vmem>>, vector<1x128xf32>
    %get3A_274 = vector.shape_cast %get3A_273 : vector<1x128xf32> to vector<128xf32>
    %mul3A_275 = arith.constant 11.3137083 : f32
    %mul3A_276 = vector.broadcast %mul3A_275 : f32 to vector<128xf32>
    %mul3A_277 = arith.mulf %get3A_274, %mul3A_276 : vector<128xf32>
    %broadcast_in_dim3A_278 = vector.shape_cast %mul3A_277 : vector<128xf32> to vector<1x128xf32>
    %add3A_279 = vector.broadcast %broadcast_in_dim3A_278 : vector<1x128xf32> to vector<200x128xf32>
    %add3A_280 = arith.addf %add3A_279, %get3A_1 : vector<200x128xf32>
    %swap3A_281 = arith.constant 4200 : index
    %swap3A_282 = arith.constant 0 : index
    %swap3A_283 = vector.load %arg2[%swap3A_281, %swap3A_282] : memref<8832x128xf32, #tpu.memory_space<vmem>>, vector<200x128xf32>
    tpu.vector_store %arg2[%swap3A_281, %swap3A_282], %add3A_280 {strides = array<i32>} : memref<8832x128xf32, #tpu.memory_space<vmem>>, vector<200x128xf32>,
    %get3A_284 = arith.constant 22 : index
    %get3A_285 = arith.constant 0 : index
    %get3A_286 = vector.load %arg0[%get3A_284, %get3A_285] : memref<44x128xf32, #tpu.memory_space<vmem>>, vector<1x128xf32>
    %get3A_287 = vector.shape_cast %get3A_286 : vector<1x128xf32> to vector<128xf32>
    %mul3A_288 = arith.constant 11.3137083 : f32
    %mul3A_289 = vector.broadcast %mul3A_288 : f32 to vector<128xf32>
    %mul3A_290 = arith.mulf %get3A_287, %mul3A_289 : vector<128xf32>
    %broadcast_in_dim3A_291 = vector.shape_cast %mul3A_290 : vector<128xf32> to vector<1x128xf32>
    %add3A_292 = vector.broadcast %broadcast_in_dim3A_291 : vector<1x128xf32> to vector<200x128xf32>
    %add3A_293 = arith.addf %add3A_292, %get3A_1 : vector<200x128xf32>
    %swap3A_294 = arith.constant 4400 : index
    %swap3A_295 = arith.constant 0 : index
    %swap3A_296 = vector.load %arg2[%swap3A_294, %swap3A_295] : memref<8832x128xf32, #tpu.memory_space<vmem>>, vector<200x128xf32>
    tpu.vector_store %arg2[%swap3A_294, %swap3A_295], %add3A_293 {strides = array<i32>} : memref<8832x128xf32, #tpu.memory_space<vmem>>, vector<200x128xf32>,
    %get3A_297 = arith.constant 23 : index
    %get3A_298 = arith.constant 0 : index
    %get3A_299 = vector.load %arg0[%get3A_297, %get3A_298] : memref<44x128xf32, #tpu.memory_space<vmem>>, vector<1x128xf32>
    %get3A_300 = vector.shape_cast %get3A_299 : vector<1x128xf32> to vector<128xf32>
    %mul3A_301 = arith.constant 11.3137083 : f32
    %mul3A_302 = vector.broadcast %mul3A_301 : f32 to vector<128xf32>
    %mul3A_303 = arith.mulf %get3A_300, %mul3A_302 : vector<128xf32>
    %broadcast_in_dim3A_304 = vector.shape_cast %mul3A_303 : vector<128xf32> to vector<1x128xf32>
    %add3A_305 = vector.broadcast %broadcast_in_dim3A_304 : vector<1x128xf32> to vector<200x128xf32>
    %add3A_306 = arith.addf %add3A_305, %get3A_1 : vector<200x128xf32>
    %swap3A_307 = arith.constant 4600 : index
    %swap3A_308 = arith.constant 0 : index
    %swap3A_309 = vector.load %arg2[%swap3A_307, %swap3A_308] : memref<8832x128xf32, #tpu.memory_space<vmem>>, vector<200x128xf32>
    tpu.vector_store %arg2[%swap3A_307, %swap3A_308], %add3A_306 {strides = array<i32>} : memref<8832x128xf32, #tpu.memory_space<vmem>>, vector<200x128xf32>,
    %get3A_310 = arith.constant 24 : index
    %get3A_311 = arith.constant 0 : index
    %get3A_312 = vector.load %arg0[%get3A_310, %get3A_311] : memref<44x128xf32, #tpu.memory_space<vmem>>, vector<1x128xf32>
    %get3A_313 = vector.shape_cast %get3A_312 : vector<1x128xf32> to vector<128xf32>
    %mul3A_314 = arith.constant 11.3137083 : f32
    %mul3A_315 = vector.broadcast %mul3A_314 : f32 to vector<128xf32>
    %mul3A_316 = arith.mulf %get3A_313, %mul3A_315 : vector<128xf32>
    %broadcast_in_dim3A_317 = vector.shape_cast %mul3A_316 : vector<128xf32> to vector<1x128xf32>
    %add3A_318 = vector.broadcast %broadcast_in_dim3A_317 : vector<1x128xf32> to vector<200x128xf32>
    %add3A_319 = arith.addf %add3A_318, %get3A_1 : vector<200x128xf32>
    %swap3A_320 = arith.constant 4800 : index
    %swap3A_321 = arith.constant 0 : index
    %swap3A_322 = vector.load %arg2[%swap3A_320, %swap3A_321] : memref<8832x128xf32, #tpu.memory_space<vmem>>, vector<200x128xf32>
    tpu.vector_store %arg2[%swap3A_320, %swap3A_321], %add3A_319 {strides = array<i32>} : memref<8832x128xf32, #tpu.memory_space<vmem>>, vector<200x128xf32>,
    %get3A_323 = arith.constant 25 : index
    %get3A_324 = arith.constant 0 : index
    %get3A_325 = vector.load %arg0[%get3A_323, %get3A_324] : memref<44x128xf32, #tpu.memory_space<vmem>>, vector<1x128xf32>
    %get3A_326 = vector.shape_cast %get3A_325 : vector<1x128xf32> to vector<128xf32>
    %mul3A_327 = arith.constant 11.3137083 : f32
    %mul3A_328 = vector.broadcast %mul3A_327 : f32 to vector<128xf32>
    %mul3A_329 = arith.mulf %get3A_326, %mul3A_328 : vector<128xf32>
    %broadcast_in_dim3A_330 = vector.shape_cast %mul3A_329 : vector<128xf32> to vector<1x128xf32>
    %add3A_331 = vector.broadcast %broadcast_in_dim3A_330 : vector<1x128xf32> to vector<200x128xf32>
    %add3A_332 = arith.addf %add3A_331, %get3A_1 : vector<200x128xf32>
    %swap3A_333 = arith.constant 5000 : index
    %swap3A_334 = arith.constant 0 : index
    %swap3A_335 = vector.load %arg2[%swap3A_333, %swap3A_334] : memref<8832x128xf32, #tpu.memory_space<vmem>>, vector<200x128xf32>
    tpu.vector_store %arg2[%swap3A_333, %swap3A_334], %add3A_332 {strides = array<i32>} : memref<8832x128xf32, #tpu.memory_space<vmem>>, vector<200x128xf32>,
    %get3A_336 = arith.constant 26 : index
    %get3A_337 = arith.constant 0 : index
    %get3A_338 = vector.load %arg0[%get3A_336, %get3A_337] : memref<44x128xf32, #tpu.memory_space<vmem>>, vector<1x128xf32>
    %get3A_339 = vector.shape_cast %get3A_338 : vector<1x128xf32> to vector<128xf32>
    %mul3A_340 = arith.constant 11.3137083 : f32
    %mul3A_341 = vector.broadcast %mul3A_340 : f32 to vector<128xf32>
    %mul3A_342 = arith.mulf %get3A_339, %mul3A_341 : vector<128xf32>
    %broadcast_in_dim3A_343 = vector.shape_cast %mul3A_342 : vector<128xf32> to vector<1x128xf32>
    %add3A_344 = vector.broadcast %broadcast_in_dim3A_343 : vector<1x128xf32> to vector<200x128xf32>
    %add3A_345 = arith.addf %add3A_344, %get3A_1 : vector<200x128xf32>
    %swap3A_346 = arith.constant 5200 : index
    %swap3A_347 = arith.constant 0 : index
    %swap3A_348 = vector.load %arg2[%swap3A_346, %swap3A_347] : memref<8832x128xf32, #tpu.memory_space<vmem>>, vector<200x128xf32>
    tpu.vector_store %arg2[%swap3A_346, %swap3A_347], %add3A_345 {strides = array<i32>} : memref<8832x128xf32, #tpu.memory_space<vmem>>, vector<200x128xf32>,
    %get3A_349 = arith.constant 27 : index
    %get3A_350 = arith.constant 0 : index
    %get3A_351 = vector.load %arg0[%get3A_349, %get3A_350] : memref<44x128xf32, #tpu.memory_space<vmem>>, vector<1x128xf32>
    %get3A_352 = vector.shape_cast %get3A_351 : vector<1x128xf32> to vector<128xf32>
    %mul3A_353 = arith.constant 11.3137083 : f32
    %mul3A_354 = vector.broadcast %mul3A_353 : f32 to vector<128xf32>
    %mul3A_355 = arith.mulf %get3A_352, %mul3A_354 : vector<128xf32>
    %broadcast_in_dim3A_356 = vector.shape_cast %mul3A_355 : vector<128xf32> to vector<1x128xf32>
    %add3A_357 = vector.broadcast %broadcast_in_dim3A_356 : vector<1x128xf32> to vector<200x128xf32>
    %add3A_358 = arith.addf %add3A_357, %get3A_1 : vector<200x128xf32>
    %swap3A_359 = arith.constant 5400 : index
    %swap3A_360 = arith.constant 0 : index
    %swap3A_361 = vector.load %arg2[%swap3A_359, %swap3A_360] : memref<8832x128xf32, #tpu.memory_space<vmem>>, vector<200x128xf32>
    tpu.vector_store %arg2[%swap3A_359, %swap3A_360], %add3A_358 {strides = array<i32>} : memref<8832x128xf32, #tpu.memory_space<vmem>>, vector<200x128xf32>,
    %get3A_362 = arith.constant 28 : index
    %get3A_363 = arith.constant 0 : index
    %get3A_364 = vector.load %arg0[%get3A_362, %get3A_363] : memref<44x128xf32, #tpu.memory_space<vmem>>, vector<1x128xf32>
    %get3A_365 = vector.shape_cast %get3A_364 : vector<1x128xf32> to vector<128xf32>
    %mul3A_366 = arith.constant 11.3137083 : f32
    %mul3A_367 = vector.broadcast %mul3A_366 : f32 to vector<128xf32>
    %mul3A_368 = arith.mulf %get3A_365, %mul3A_367 : vector<128xf32>
    %broadcast_in_dim3A_369 = vector.shape_cast %mul3A_368 : vector<128xf32> to vector<1x128xf32>
    %add3A_370 = vector.broadcast %broadcast_in_dim3A_369 : vector<1x128xf32> to vector<200x128xf32>
    %add3A_371 = arith.addf %add3A_370, %get3A_1 : vector<200x128xf32>
    %swap3A_372 = arith.constant 5600 : index
    %swap3A_373 = arith.constant 0 : index
    %swap3A_374 = vector.load %arg2[%swap3A_372, %swap3A_373] : memref<8832x128xf32, #tpu.memory_space<vmem>>, vector<200x128xf32>
    tpu.vector_store %arg2[%swap3A_372, %swap3A_373], %add3A_371 {strides = array<i32>} : memref<8832x128xf32, #tpu.memory_space<vmem>>, vector<200x128xf32>,
    %get3A_375 = arith.constant 29 : index
    %get3A_376 = arith.constant 0 : index
    %get3A_377 = vector.load %arg0[%get3A_375, %get3A_376] : memref<44x128xf32, #tpu.memory_space<vmem>>, vector<1x128xf32>
    %get3A_378 = vector.shape_cast %get3A_377 : vector<1x128xf32> to vector<128xf32>
    %mul3A_379 = arith.constant 11.3137083 : f32
    %mul3A_380 = vector.broadcast %mul3A_379 : f32 to vector<128xf32>
    %mul3A_381 = arith.mulf %get3A_378, %mul3A_380 : vector<128xf32>
    %broadcast_in_dim3A_382 = vector.shape_cast %mul3A_381 : vector<128xf32> to vector<1x128xf32>
    %add3A_383 = vector.broadcast %broadcast_in_dim3A_382 : vector<1x128xf32> to vector<200x128xf32>
    %add3A_384 = arith.addf %add3A_383, %get3A_1 : vector<200x128xf32>
    %swap3A_385 = arith.constant 5800 : index
    %swap3A_386 = arith.constant 0 : index
    %swap3A_387 = vector.load %arg2[%swap3A_385, %swap3A_386] : memref<8832x128xf32, #tpu.memory_space<vmem>>, vector<200x128xf32>
    tpu.vector_store %arg2[%swap3A_385, %swap3A_386], %add3A_384 {strides = array<i32>} : memref<8832x128xf32, #tpu.memory_space<vmem>>, vector<200x128xf32>,
    %get3A_388 = arith.constant 30 : index
    %get3A_389 = arith.constant 0 : index
    %get3A_390 = vector.load %arg0[%get3A_388, %get3A_389] : memref<44x128xf32, #tpu.memory_space<vmem>>, vector<1x128xf32>
    %get3A_391 = vector.shape_cast %get3A_390 : vector<1x128xf32> to vector<128xf32>
    %mul3A_392 = arith.constant 11.3137083 : f32
    %mul3A_393 = vector.broadcast %mul3A_392 : f32 to vector<128xf32>
    %mul3A_394 = arith.mulf %get3A_391, %mul3A_393 : vector<128xf32>
    %broadcast_in_dim3A_395 = vector.shape_cast %mul3A_394 : vector<128xf32> to vector<1x128xf32>
    %add3A_396 = vector.broadcast %broadcast_in_dim3A_395 : vector<1x128xf32> to vector<200x128xf32>
    %add3A_397 = arith.addf %add3A_396, %get3A_1 : vector<200x128xf32>
    %swap3A_398 = arith.constant 6000 : index
    %swap3A_399 = arith.constant 0 : index
    %swap3A_400 = vector.load %arg2[%swap3A_398, %swap3A_399] : memref<8832x128xf32, #tpu.memory_space<vmem>>, vector<200x128xf32>
    tpu.vector_store %arg2[%swap3A_398, %swap3A_399], %add3A_397 {strides = array<i32>} : memref<8832x128xf32, #tpu.memory_space<vmem>>, vector<200x128xf32>,
    %get3A_401 = arith.constant 31 : index
    %get3A_402 = arith.constant 0 : index
    %get3A_403 = vector.load %arg0[%get3A_401, %get3A_402] : memref<44x128xf32, #tpu.memory_space<vmem>>, vector<1x128xf32>
    %get3A_404 = vector.shape_cast %get3A_403 : vector<1x128xf32> to vector<128xf32>
    %mul3A_405 = arith.constant 11.3137083 : f32
    %mul3A_406 = vector.broadcast %mul3A_405 : f32 to vector<128xf32>
    %mul3A_407 = arith.mulf %get3A_404, %mul3A_406 : vector<128xf32>
    %broadcast_in_dim3A_408 = vector.shape_cast %mul3A_407 : vector<128xf32> to vector<1x128xf32>
    %add3A_409 = vector.broadcast %broadcast_in_dim3A_408 : vector<1x128xf32> to vector<200x128xf32>
    %add3A_410 = arith.addf %add3A_409, %get3A_1 : vector<200x128xf32>
    %swap3A_411 = arith.constant 6200 : index
    %swap3A_412 = arith.constant 0 : index
    %swap3A_413 = vector.load %arg2[%swap3A_411, %swap3A_412] : memref<8832x128xf32, #tpu.memory_space<vmem>>, vector<200x128xf32>
    tpu.vector_store %arg2[%swap3A_411, %swap3A_412], %add3A_410 {strides = array<i32>} : memref<8832x128xf32, #tpu.memory_space<vmem>>, vector<200x128xf32>,
    %get3A_414 = arith.constant 32 : index
    %get3A_415 = arith.constant 0 : index
    %get3A_416 = vector.load %arg0[%get3A_414, %get3A_415] : memref<44x128xf32, #tpu.memory_space<vmem>>, vector<1x128xf32>
    %get3A_417 = vector.shape_cast %get3A_416 : vector<1x128xf32> to vector<128xf32>
    %mul3A_418 = arith.constant 11.3137083 : f32
    %mul3A_419 = vector.broadcast %mul3A_418 : f32 to vector<128xf32>
    %mul3A_420 = arith.mulf %get3A_417, %mul3A_419 : vector<128xf32>
    %broadcast_in_dim3A_421 = vector.shape_cast %mul3A_420 : vector<128xf32> to vector<1x128xf32>
    %add3A_422 = vector.broadcast %broadcast_in_dim3A_421 : vector<1x128xf32> to vector<200x128xf32>
    %add3A_423 = arith.addf %add3A_422, %get3A_1 : vector<200x128xf32>
    %swap3A_424 = arith.constant 6400 : index
    %swap3A_425 = arith.constant 0 : index
    %swap3A_426 = vector.load %arg2[%swap3A_424, %swap3A_425] : memref<8832x128xf32, #tpu.memory_space<vmem>>, vector<200x128xf32>
    tpu.vector_store %arg2[%swap3A_424, %swap3A_425], %add3A_423 {strides = array<i32>} : memref<8832x128xf32, #tpu.memory_space<vmem>>, vector<200x128xf32>,
    %get3A_427 = arith.constant 33 : index
    %get3A_428 = arith.constant 0 : index
    %get3A_429 = vector.load %arg0[%get3A_427, %get3A_428] : memref<44x128xf32, #tpu.memory_space<vmem>>, vector<1x128xf32>
    %get3A_430 = vector.shape_cast %get3A_429 : vector<1x128xf32> to vector<128xf32>
    %mul3A_431 = arith.constant 11.3137083 : f32
    %mul3A_432 = vector.broadcast %mul3A_431 : f32 to vector<128xf32>
    %mul3A_433 = arith.mulf %get3A_430, %mul3A_432 : vector<128xf32>
    %broadcast_in_dim3A_434 = vector.shape_cast %mul3A_433 : vector<128xf32> to vector<1x128xf32>
    %add3A_435 = vector.broadcast %broadcast_in_dim3A_434 : vector<1x128xf32> to vector<200x128xf32>
    %add3A_436 = arith.addf %add3A_435, %get3A_1 : vector<200x128xf32>
    %swap3A_437 = arith.constant 6600 : index
    %swap3A_438 = arith.constant 0 : index
    %swap3A_439 = vector.load %arg2[%swap3A_437, %swap3A_438] : memref<8832x128xf32, #tpu.memory_space<vmem>>, vector<200x128xf32>
    tpu.vector_store %arg2[%swap3A_437, %swap3A_438], %add3A_436 {strides = array<i32>} : memref<8832x128xf32, #tpu.memory_space<vmem>>, vector<200x128xf32>,
    %get3A_440 = arith.constant 34 : index
    %get3A_441 = arith.constant 0 : index
    %get3A_442 = vector.load %arg0[%get3A_440, %get3A_441] : memref<44x128xf32, #tpu.memory_space<vmem>>, vector<1x128xf32>
    %get3A_443 = vector.shape_cast %get3A_442 : vector<1x128xf32> to vector<128xf32>
    %mul3A_444 = arith.constant 11.3137083 : f32
    %mul3A_445 = vector.broadcast %mul3A_444 : f32 to vector<128xf32>
    %mul3A_446 = arith.mulf %get3A_443, %mul3A_445 : vector<128xf32>
    %broadcast_in_dim3A_447 = vector.shape_cast %mul3A_446 : vector<128xf32> to vector<1x128xf32>
    %add3A_448 = vector.broadcast %broadcast_in_dim3A_447 : vector<1x128xf32> to vector<200x128xf32>
    %add3A_449 = arith.addf %add3A_448, %get3A_1 : vector<200x128xf32>
    %swap3A_450 = arith.constant 6800 : index
    %swap3A_451 = arith.constant 0 : index
    %swap3A_452 = vector.load %arg2[%swap3A_450, %swap3A_451] : memref<8832x128xf32, #tpu.memory_space<vmem>>, vector<200x128xf32>
    tpu.vector_store %arg2[%swap3A_450, %swap3A_451], %add3A_449 {strides = array<i32>} : memref<8832x128xf32, #tpu.memory_space<vmem>>, vector<200x128xf32>,
    %get3A_453 = arith.constant 35 : index
    %get3A_454 = arith.constant 0 : index
    %get3A_455 = vector.load %arg0[%get3A_453, %get3A_454] : memref<44x128xf32, #tpu.memory_space<vmem>>, vector<1x128xf32>
    %get3A_456 = vector.shape_cast %get3A_455 : vector<1x128xf32> to vector<128xf32>
    %mul3A_457 = arith.constant 11.3137083 : f32
    %mul3A_458 = vector.broadcast %mul3A_457 : f32 to vector<128xf32>
    %mul3A_459 = arith.mulf %get3A_456, %mul3A_458 : vector<128xf32>
    %broadcast_in_dim3A_460 = vector.shape_cast %mul3A_459 : vector<128xf32> to vector<1x128xf32>
    %add3A_461 = vector.broadcast %broadcast_in_dim3A_460 : vector<1x128xf32> to vector<200x128xf32>
    %add3A_462 = arith.addf %add3A_461, %get3A_1 : vector<200x128xf32>
    %swap3A_463 = arith.constant 7000 : index
    %swap3A_464 = arith.constant 0 : index
    %swap3A_465 = vector.load %arg2[%swap3A_463, %swap3A_464] : memref<8832x128xf32, #tpu.memory_space<vmem>>, vector<200x128xf32>
    tpu.vector_store %arg2[%swap3A_463, %swap3A_464], %add3A_462 {strides = array<i32>} : memref<8832x128xf32, #tpu.memory_space<vmem>>, vector<200x128xf32>,
    %get3A_466 = arith.constant 36 : index
    %get3A_467 = arith.constant 0 : index
    %get3A_468 = vector.load %arg0[%get3A_466, %get3A_467] : memref<44x128xf32, #tpu.memory_space<vmem>>, vector<1x128xf32>
    %get3A_469 = vector.shape_cast %get3A_468 : vector<1x128xf32> to vector<128xf32>
    %mul3A_470 = arith.constant 11.3137083 : f32
    %mul3A_471 = vector.broadcast %mul3A_470 : f32 to vector<128xf32>
    %mul3A_472 = arith.mulf %get3A_469, %mul3A_471 : vector<128xf32>
    %broadcast_in_dim3A_473 = vector.shape_cast %mul3A_472 : vector<128xf32> to vector<1x128xf32>
    %add3A_474 = vector.broadcast %broadcast_in_dim3A_473 : vector<1x128xf32> to vector<200x128xf32>
    %add3A_475 = arith.addf %add3A_474, %get3A_1 : vector<200x128xf32>
    %swap3A_476 = arith.constant 7200 : index
    %swap3A_477 = arith.constant 0 : index
    %swap3A_478 = vector.load %arg2[%swap3A_476, %swap3A_477] : memref<8832x128xf32, #tpu.memory_space<vmem>>, vector<200x128xf32>
    tpu.vector_store %arg2[%swap3A_476, %swap3A_477], %add3A_475 {strides = array<i32>} : memref<8832x128xf32, #tpu.memory_space<vmem>>, vector<200x128xf32>,
    %get3A_479 = arith.constant 37 : index
    %get3A_480 = arith.constant 0 : index
    %get3A_481 = vector.load %arg0[%get3A_479, %get3A_480] : memref<44x128xf32, #tpu.memory_space<vmem>>, vector<1x128xf32>
    %get3A_482 = vector.shape_cast %get3A_481 : vector<1x128xf32> to vector<128xf32>
    %mul3A_483 = arith.constant 11.3137083 : f32
    %mul3A_484 = vector.broadcast %mul3A_483 : f32 to vector<128xf32>
    %mul3A_485 = arith.mulf %get3A_482, %mul3A_484 : vector<128xf32>
    %broadcast_in_dim3A_486 = vector.shape_cast %mul3A_485 : vector<128xf32> to vector<1x128xf32>
    %add3A_487 = vector.broadcast %broadcast_in_dim3A_486 : vector<1x128xf32> to vector<200x128xf32>
    %add3A_488 = arith.addf %add3A_487, %get3A_1 : vector<200x128xf32>
    %swap3A_489 = arith.constant 7400 : index
    %swap3A_490 = arith.constant 0 : index
    %swap3A_491 = vector.load %arg2[%swap3A_489, %swap3A_490] : memref<8832x128xf32, #tpu.memory_space<vmem>>, vector<200x128xf32>
    tpu.vector_store %arg2[%swap3A_489, %swap3A_490], %add3A_488 {strides = array<i32>} : memref<8832x128xf32, #tpu.memory_space<vmem>>, vector<200x128xf32>,
    %get3A_492 = arith.constant 38 : index
    %get3A_493 = arith.constant 0 : index
    %get3A_494 = vector.load %arg0[%get3A_492, %get3A_493] : memref<44x128xf32, #tpu.memory_space<vmem>>, vector<1x128xf32>
    %get3A_495 = vector.shape_cast %get3A_494 : vector<1x128xf32> to vector<128xf32>
    %mul3A_496 = arith.constant 11.3137083 : f32
    %mul3A_497 = vector.broadcast %mul3A_496 : f32 to vector<128xf32>
    %mul3A_498 = arith.mulf %get3A_495, %mul3A_497 : vector<128xf32>
    %broadcast_in_dim3A_499 = vector.shape_cast %mul3A_498 : vector<128xf32> to vector<1x128xf32>
    %add3A_500 = vector.broadcast %broadcast_in_dim3A_499 : vector<1x128xf32> to vector<200x128xf32>
    %add3A_501 = arith.addf %add3A_500, %get3A_1 : vector<200x128xf32>
    %swap3A_502 = arith.constant 7600 : index
    %swap3A_503 = arith.constant 0 : index
    %swap3A_504 = vector.load %arg2[%swap3A_502, %swap3A_503] : memref<8832x128xf32, #tpu.memory_space<vmem>>, vector<200x128xf32>
    tpu.vector_store %arg2[%swap3A_502, %swap3A_503], %add3A_501 {strides = array<i32>} : memref<8832x128xf32, #tpu.memory_space<vmem>>, vector<200x128xf32>,
    %get3A_505 = arith.constant 39 : index
    %get3A_506 = arith.constant 0 : index
    %get3A_507 = vector.load %arg0[%get3A_505, %get3A_506] : memref<44x128xf32, #tpu.memory_space<vmem>>, vector<1x128xf32>
    %get3A_508 = vector.shape_cast %get3A_507 : vector<1x128xf32> to vector<128xf32>
    %mul3A_509 = arith.constant 11.3137083 : f32
    %mul3A_510 = vector.broadcast %mul3A_509 : f32 to vector<128xf32>
    %mul3A_511 = arith.mulf %get3A_508, %mul3A_510 : vector<128xf32>
    %broadcast_in_dim3A_512 = vector.shape_cast %mul3A_511 : vector<128xf32> to vector<1x128xf32>
    %add3A_513 = vector.broadcast %broadcast_in_dim3A_512 : vector<1x128xf32> to vector<200x128xf32>
    %add3A_514 = arith.addf %add3A_513, %get3A_1 : vector<200x128xf32>
    %swap3A_515 = arith.constant 7800 : index
    %swap3A_516 = arith.constant 0 : index
    %swap3A_517 = vector.load %arg2[%swap3A_515, %swap3A_516] : memref<8832x128xf32, #tpu.memory_space<vmem>>, vector<200x128xf32>
    tpu.vector_store %arg2[%swap3A_515, %swap3A_516], %add3A_514 {strides = array<i32>} : memref<8832x128xf32, #tpu.memory_space<vmem>>, vector<200x128xf32>,
    %get3A_518 = arith.constant 40 : index
    %get3A_519 = arith.constant 0 : index
    %get3A_520 = vector.load %arg0[%get3A_518, %get3A_519] : memref<44x128xf32, #tpu.memory_space<vmem>>, vector<1x128xf32>
    %get3A_521 = vector.shape_cast %get3A_520 : vector<1x128xf32> to vector<128xf32>
    %mul3A_522 = arith.constant 11.3137083 : f32
    %mul3A_523 = vector.broadcast %mul3A_522 : f32 to vector<128xf32>
    %mul3A_524 = arith.mulf %get3A_521, %mul3A_523 : vector<128xf32>
    %broadcast_in_dim3A_525 = vector.shape_cast %mul3A_524 : vector<128xf32> to vector<1x128xf32>
    %add3A_526 = vector.broadcast %broadcast_in_dim3A_525 : vector<1x128xf32> to vector<200x128xf32>
    %add3A_527 = arith.addf %add3A_526, %get3A_1 : vector<200x128xf32>
    %swap3A_528 = arith.constant 8000 : index
    %swap3A_529 = arith.constant 0 : index
    %swap3A_530 = vector.load %arg2[%swap3A_528, %swap3A_529] : memref<8832x128xf32, #tpu.memory_space<vmem>>, vector<200x128xf32>
    tpu.vector_store %arg2[%swap3A_528, %swap3A_529], %add3A_527 {strides = array<i32>} : memref<8832x128xf32, #tpu.memory_space<vmem>>, vector<200x128xf32>,
    %get3A_531 = arith.constant 41 : index
    %get3A_532 = arith.constant 0 : index
    %get3A_533 = vector.load %arg0[%get3A_531, %get3A_532] : memref<44x128xf32, #tpu.memory_space<vmem>>, vector<1x128xf32>
    %get3A_534 = vector.shape_cast %get3A_533 : vector<1x128xf32> to vector<128xf32>
    %mul3A_535 = arith.constant 11.3137083 : f32
    %mul3A_536 = vector.broadcast %mul3A_535 : f32 to vector<128xf32>
    %mul3A_537 = arith.mulf %get3A_534, %mul3A_536 : vector<128xf32>
    %broadcast_in_dim3A_538 = vector.shape_cast %mul3A_537 : vector<128xf32> to vector<1x128xf32>
    %add3A_539 = vector.broadcast %broadcast_in_dim3A_538 : vector<1x128xf32> to vector<200x128xf32>
    %add3A_540 = arith.addf %add3A_539, %get3A_1 : vector<200x128xf32>
    %swap3A_541 = arith.constant 8200 : index
    %swap3A_542 = arith.constant 0 : index
    %swap3A_543 = vector.load %arg2[%swap3A_541, %swap3A_542] : memref<8832x128xf32, #tpu.memory_space<vmem>>, vector<200x128xf32>
    tpu.vector_store %arg2[%swap3A_541, %swap3A_542], %add3A_540 {strides = array<i32>} : memref<8832x128xf32, #tpu.memory_space<vmem>>, vector<200x128xf32>,
    %get3A_544 = arith.constant 42 : index
    %get3A_545 = arith.constant 0 : index
    %get3A_546 = vector.load %arg0[%get3A_544, %get3A_545] : memref<44x128xf32, #tpu.memory_space<vmem>>, vector<1x128xf32>
    %get3A_547 = vector.shape_cast %get3A_546 : vector<1x128xf32> to vector<128xf32>
    %mul3A_548 = arith.constant 11.3137083 : f32
    %mul3A_549 = vector.broadcast %mul3A_548 : f32 to vector<128xf32>
    %mul3A_550 = arith.mulf %get3A_547, %mul3A_549 : vector<128xf32>
    %broadcast_in_dim3A_551 = vector.shape_cast %mul3A_550 : vector<128xf32> to vector<1x128xf32>
    %add3A_552 = vector.broadcast %broadcast_in_dim3A_551 : vector<1x128xf32> to vector<200x128xf32>
    %add3A_553 = arith.addf %add3A_552, %get3A_1 : vector<200x128xf32>
    %swap3A_554 = arith.constant 8400 : index
    %swap3A_555 = arith.constant 0 : index
    %swap3A_556 = vector.load %arg2[%swap3A_554, %swap3A_555] : memref<8832x128xf32, #tpu.memory_space<vmem>>, vector<200x128xf32>
    tpu.vector_store %arg2[%swap3A_554, %swap3A_555], %add3A_553 {strides = array<i32>} : memref<8832x128xf32, #tpu.memory_space<vmem>>, vector<200x128xf32>,
    %get3A_557 = arith.constant 43 : index
    %get3A_558 = arith.constant 0 : index
    %get3A_559 = vector.load %arg0[%get3A_557, %get3A_558] : memref<44x128xf32, #tpu.memory_space<vmem>>, vector<1x128xf32>
    %get3A_560 = vector.shape_cast %get3A_559 : vector<1x128xf32> to vector<128xf32>
    %mul3A_561 = arith.constant 11.3137083 : f32
    %mul3A_562 = vector.broadcast %mul3A_561 : f32 to vector<128xf32>
    %mul3A_563 = arith.mulf %get3A_560, %mul3A_562 : vector<128xf32>
    %broadcast_in_dim3A_564 = vector.shape_cast %mul3A_563 : vector<128xf32> to vector<1x128xf32>
    %add3A_565 = vector.broadcast %broadcast_in_dim3A_564 : vector<1x128xf32> to vector<200x128xf32>
    %add3A_566 = arith.addf %add3A_565, %get3A_1 : vector<200x128xf32>
    %swap3A_567 = arith.constant 8600 : index
    %swap3A_568 = arith.constant 0 : index
    %swap3A_569 = vector.load %arg2[%swap3A_567, %swap3A_568] : memref<8832x128xf32, #tpu.memory_space<vmem>>, vector<200x128xf32>
    tpu.vector_store %arg2[%swap3A_567, %swap3A_568], %add3A_566 {strides = array<i32>} : memref<8832x128xf32, #tpu.memory_space<vmem>>, vector<200x128xf32>,
    %broadcast_in_dim3A_570 = arith.constant 0.000000e+00 : f32
    %broadcast_in_dim3A_571 = vector.broadcast %broadcast_in_dim3A_570 : f32 to vector<32x128xf32>
    %swap3A_572 = arith.constant 8800 : index
    %swap3A_573 = arith.constant 0 : index
    %swap3A_574 = vector.load %arg2[%swap3A_572, %swap3A_573] : memref<8832x128xf32, #tpu.memory_space<vmem>>, vector<32x128xf32>
    tpu.vector_store %arg2[%swap3A_572, %swap3A_573], %broadcast_in_dim3A_571 {strides = array<i32>} : memref<8832x128xf32, #tpu.memory_space<vmem>>, vector<32x128xf32>,
    return
  }
}

</mosaic_0001>

<sc_bundles>
// kernel: kernel.4.cloned.1.call-start
scs
__scs_entry_jumppad:
0x0: {  	(pc) =	sbr.rel $0x88, $3  }
0x1: {  	(tag) =	ssettag $0x0;
	lr =	simm.s32 $0x1  }
0x2: {  	[smem:$0x3F9F] =	sst lr;
	_ =	strace $0xD0000000  }
0x3: {  	_ = 	snop  }
0x4: {  	_ = 	snop  }
0x5: {  	_ = 	snop  }
0x6: {  	_ = 	snop  }
0x7: {  	_ = 	snop  }
__scs_overlays_trampoline_lowered:
0x8: {  	[smem:$0x3FAE] =	sst s0  }
0x9: {  	[smem:$0x3FAF] =	sst s1  }
0xa: {  	[smem:$0x3FB0] =	sst s2  }
0xb: {  	[smem:$0x3FB1] =	sst s3  }
0xc: {  	[smem:$0x3FB2] =	sst s4  }
0xd: {  	[smem:$0x3FB3] =	sst s5  }
0xe: {  	[smem:$0x3FB4] =	sst s6  }
0xf: {  	[smem:$0x3FB5] =	sst s7  }
0x10: {  	[smem:$0x3FB6] =	sst s8  }
0x11: {  	[smem:$0x3FB7] =	sst s9;
	s0 =	simm.s32 @!p0 $0x0  }
0x12: {  	s1 =	sld [smem:$0x3F9D];
	s0 =	simm.s32 @p0 $0x1  }
0x13: {  	[smem:$0x3FB8] =	sst s0;
	s0 =	simm.s32 @!p1 $0x0  }
0x14: {  	s2 =	sld [smem:$0x3F9C];
	s0 =	simm.s32 @p1 $0x1  }
0x15: {  	[smem:$0x3FB9] =	sst s0;
	s0 =	simm.s32 @!p2 $0x0  }
0x16: {  	s3 =	sld [smem:$0x3FDB];
	s0 =	simm.s32 @p2 $0x1  }
0x17: {  	s4 =	simm.s32 $0x1BF5;
	[smem:$0x3FBB] =	sst s0  }
0x18: {  	s0 =	sld [smem:$0x3F9E];
	_ =	swait.ge [sflag:s4], $0x0  }
0x19: {  	s7 =	sld [smem:$0x3F9F]  }
0x1a: {  	s8 =	sadd.s32 $0xFFFFE003, lr  }
0x1b: {  	s9 =	sadd.s32 $0xFFFFFEF7, lr;
	s5 =	simm.s32 $0xFFFFFFFF;
	p2 =	slt.u32 s8, $0xFFFFF086  }
0x1c: {  	p1 =	slt.u32 s9, $0xF7A;
	s5 =	simm.s32 @!p2 $0x0  }
0x1d: {  	s5 =	simm.s32 @p1 $0x1;
	p0 =	seq.s32 s7, s2  }
0x1e: {  	s7 =	smul.u32 @!p0 $0xF7A, s2;
	p2 =	seq.s32 @!p0 s5, $0x0  }
0x1f: {  	s9 =	smul.u32 $0xF7A, s1;
	s8 =	simm.s32 @!p0 $0x1BF5;
	p2 =	por !p2, p0  }
0x20: {  	[sflag:s8] =	ssyncset.s32 @!p0 $0xFFFFF086;
	s6 =	sadd.s32 @!p0 s3, s7;
	s7 =	simm.s32 @!p0 $0x108  }
0x21: {  	s3 =	sadd.s32 s3, s9;
	s6 =	sadd.s32 @!p0 $0x88, s6;
	s7 =	simm.s32 @p2 $0x1082  }
0x22: {  	[simem:s7], [sflag:s8] =	dma.local @!p0 [hbm:s6], $0xF7A  }
0x23: {  	s9 =	sor.u32 $0xD0000000, s2;
	s6 =	simm.s32 $0x108;
	_ =	swait.ge @!p0 [sflag:s8], $0x0  }
0x24: {  	s3 =	sadd.s32 $0x88, s3;
	s6 =	simm.s32 @!p1 $0x1082;
	[sflag:s4] =	ssyncset.s32 $0xFFFFF086  }
0x25: {  	[simem:s6], [sflag:s4] =	dma.local [hbm:s3], $0xF7A  }
0x26: {  	[smem:$0x3F9F] =	sst s1;
	(tag) =	ssettag s2;
	_ =	strace s9  }
0x27: {  	s1 =	sld [smem:$0x3FAF]  }
0x28: {  	s2 =	sld [smem:$0x3FB0]  }
0x29: {  	s4 =	sld [smem:$0x3FB2]  }
0x2a: {  	p0 =	seq.s32 s5, $0x0;
	s5 =	sld [smem:$0x3FB3]  }
0x2b: {  	s6 =	sld [smem:$0x3FB4]  }
0x2c: {  	s7 =	sld [smem:$0x3FB5]  }
0x2d: {  	s3 =	simm.s32 $0x108;
	s8 =	sld [smem:$0x3FB6]  }
0x2e: {  	s3 =	simm.s32 @!p0 $0x1082;
	s9 =	sld [smem:$0x3FB7]  }
0x2f: {  	lr =	sadd.s32 s0, s3;
	s0 =	sld [smem:$0x3FAE]  }
0x30: {  	s3 =	sld [smem:$0x3FB1]  }
0x31: {  	[smem:$0x3FBA] =	sst s10  }
0x32: {  	s10 =	sld [smem:$0x3FB8];
	_ =	sdelay $0x3  }
0x33: {  	p0 =	seq.s32 s10, $0x1;
	s10 =	sld [smem:$0x3FBA];
	_ =	sdelay $0x3  }
0x34: {  	[smem:$0x3FBA] =	sst s10  }
0x35: {  	s10 =	sld [smem:$0x3FB9];
	_ =	sdelay $0x3  }
0x36: {  	p1 =	seq.s32 s10, $0x1;
	s10 =	sld [smem:$0x3FBA];
	_ =	sdelay $0x3  }
0x37: {  	[smem:$0x3FBA] =	sst s10  }
0x38: {  	s10 =	sld [smem:$0x3FBB]  }
0x39: {  	_ = 	snop;
	(pc) =	sbr.ind lr, $3  }
0x3a: {  	_ = 	snop  }
0x3b: {  	_ = 	snop  }
0x3c: {  	p2 =	seq.s32 s10, $0x1;
	s10 =	sld [smem:$0x3FBA]  }
0x3d: {  	_ =	shalt  }
0x3e: {  	_ =	shalt  }
0x3f: {  	_ =	shalt  }
0x40: {  	_ =	shalt  }
0x41: {  	_ =	shalt  }
0x42: {  	_ =	shalt  }
0x43: {  	_ =	shalt  }
0x44: {  	_ =	shalt  }
0x45: {  	_ =	shalt  }
0x46: {  	_ =	shalt  }
0x47: {  	_ =	shalt  }
0x48: {  	_ =	shalt  }
0x49: {  	_ =	shalt  }
0x4a: {  	_ =	shalt  }
0x4b: {  	_ =	shalt  }
0x4c: {  	_ =	shalt  }
0x4d: {  	_ =	shalt  }
0x4e: {  	_ =	shalt  }
0x4f: {  	_ =	shalt  }
0x50: {  	_ =	shalt  }
0x51: {  	_ =	shalt  }
0x52: {  	_ =	shalt  }
0x53: {  	_ =	shalt  }
0x54: {  	_ =	shalt  }
0x55: {  	_ =	shalt  }
0x56: {  	_ =	shalt  }
0x57: {  	_ =	shalt  }
0x58: {  	_ =	shalt  }
0x59: {  	_ =	shalt  }
0x5a: {  	_ =	shalt  }
0x5b: {  	_ =	shalt  }
0x5c: {  	_ =	shalt  }
0x5d: {  	_ =	shalt  }
0x5e: {  	_ =	shalt  }
0x5f: {  	_ =	shalt  }
0x60: {  	_ =	shalt  }
0x61: {  	_ =	shalt  }
0x62: {  	_ =	shalt  }
0x63: {  	_ =	shalt  }
0x64: {  	_ =	shalt  }
0x65: {  	_ =	shalt  }
0x66: {  	_ =	shalt  }
0x67: {  	_ =	shalt  }
0x68: {  	_ =	shalt  }
0x69: {  	_ =	shalt  }
0x6a: {  	_ =	shalt  }
0x6b: {  	_ =	shalt  }
0x6c: {  	_ =	shalt  }
0x6d: {  	_ =	shalt  }
0x6e: {  	_ =	shalt  }
0x6f: {  	_ =	shalt  }
0x70: {  	_ =	shalt  }
0x71: {  	_ =	shalt  }
0x72: {  	_ =	shalt  }
0x73: {  	_ =	shalt  }
0x74: {  	_ =	shalt  }
0x75: {  	_ =	shalt  }
0x76: {  	_ =	shalt  }
0x77: {  	_ =	shalt  }
0x78: {  	_ =	shalt  }
0x79: {  	_ =	shalt  }
0x7a: {  	_ =	shalt  }
0x7b: {  	_ =	shalt  }
0x7c: {  	_ =	shalt  }
0x7d: {  	_ =	shalt  }
0x7e: {  	_ =	shalt  }
0x7f: {  	_ =	shalt  }
0x80: {  	_ =	shalt  }
0x81: {  	_ =	shalt  }
0x82: {  	_ =	shalt  }
0x83: {  	_ =	shalt  }
0x84: {  	_ =	shalt  }
0x85: {  	_ =	shalt  }
0x86: {  	_ =	shalt  }
0x87: {  	_ =	shalt  }
.Lfunc_end0:
.L_simem_size_0:
called_computation_lowered:
.L_overlay_start_0:
0x88: {  	s2 =	sld [smem:$0x3FD9]  }
0x89: {  	s3 =	sld [smem:$0x3FFE];
	_ =	sdelay $0x1  }
0x8a: {  	s1 =	srdreg.scid  }
0x8b: {  	s0 =	sand.u32 $0x1, s1  }
0x8c: {  	s17 =	sshll.u32 s0, $0xA;
	s2 =	sadd.s32 s3, s2  }
0x8d: {  	s2 =	sadd.s32 s2, s17  }
0x8e: {  	[smem:$0x3FC6] =	sst s2  }
0x8f: {  	_ = 	snop  }
0x90: {  	s2 =	sld [smem:$0x3FD0];
	(tm) =	ssettm $0x1  }
0x91: {  	s18 =	sld [smem:$0x3FFB];
	_ =	sdelay $0x3  }
0x92: {  	_ =	strace s18  }
0x93: {  	s3 =	sld [smem:$0x3FFC];
	_ =	sdelay $0x3  }
0x94: {  	_ =	strace s3  }
0x95: {  	s3 =	sld [smem:$0x3FFD];
	_ =	sdelay $0x3  }
0x96: {  	_ =	strace s3  }
0x97: {  	_ =	strace $0x8FFFFFFF  }
0x98: {  	s19 =	sld [smem:$0x3FDB];
	_ =	sdelay $0x1  }
0x99: {  	s4 =	simm.s32 $_scs_section_size  }
0x9a: {  	s5 =	simm.s32 $_size__tile_overlayer_lowered;
	s6 =	simm.s32 $_tile_overlayer_lowered  }
0x9b: {  	s22 =	simm.s32 $0x1BFF;
	s21 =	sshll.u32 s6, $0x1;
	s3 =	sadd.s32 s4, s19  }
0x9c: {  	s7 =	simm.s32 $0x0;
	s20 =	sshll.u32 s5, $0x1;
	s5 =	sadd.s32 s21, s3  }
0x9d: {  	[timem:s7], [sflag:s22] =	dma.local [hbm:s5], s20  }
0x9e: {  	_ =	swait.ge [sflag:s22], s20  }
0x9f: {  	s4 =	ssub.s32 $0x0, s20;
	[sflag:s22] =	ssyncset.done $0x0  }
0xa0: {  	[sflag:s22] =	ssyncadd.s32 s4;
	_ =	sdelay $0x1  }
0xa1: {  	s23 =	simm.s32 $0x1B8B  }
0xa2: {  	_ =	swait.ge [sflag:s23], $0x1  }
0xa3: {  	[sflag:s23] =	ssyncset.done $0x0  }
0xa4: {  	s25 =	simm.s32 $0x1B8E;
	s24 =	sld [smem:$0x3FFE];
	[sflag:s23] =	ssyncadd.s32 $0xFFFFFFFF  }
0xa5: {  	s26 =	simm.s32 $execute0_lowered;
	[smem:$0x3FD2] =	sst s25  }
0xa6: {  	s5 =	sshll.u32 s26, $0x1;
	_ =	strace $0x80000046;
	[dreg:$0x1] =	wrdreg $0xFFFFFFFF  }
0xa7: {  	s28 =	simm.s32 $_size_execute0_lowered;
	s3 =	sadd.s32 s3, s5;
	[dreg:$0x0] =	wrdreg $0x0  }
0xa8: {  	s5 =	sshll.u32 s28, $0x1;
	[dreg:$0x2] =	wrdreg s3  }
0xa9: {  	[dreg:$0x3] =	wrdreg s5  }
0xaa: {  	[dreg:$0x4] =	wrdreg $0xC0  }
0xab: {  	_ =	task [dreg:s7], $0x5FFFF  }
0xac: {  	[dreg:$0x1] =	wrdreg $0xFFFFFFFF  }
0xad: {  	[dreg:$0x0] =	wrdreg $0x60  }
0xae: {  	[dreg:$0x2] =	wrdreg s24  }
0xaf: {  	[dreg:$0x3] =	wrdreg s2  }
0xb0: {  	[dreg:$0x4] =	wrdreg $0x35000  }
0xb1: {  	[dreg:$0x5] =	wrdreg $0x9  }
0xb2: {  	_ =	task.clear_ibuf [dreg:s7], $0x6FFFF;
	_ =	strace $0x90000046  }
0xb3: {  	s29 =	simm.s32 $0x9;
	_ =	strace $0x80000048  }
0xb4: {  	_ =	swait.ge [sflag:s29], $0x1  }
0xb5: {  	[sflag:s29] =	ssyncadd.s32 $0xFFFFFFFF  }
0xb6: {  	_ =	strace $0x90000048  }
0xb7: {  	_ =	sfence  }
0xb8: {  	s30 =	sld [smem:$0x0];
	_ =	sdelay $0x2  }
0xb9: {  	s31 =	sshll.u32 s1, $0xD;
	s1 =	sshrl.u32 s1, $0x2  }
0xba: {  	s3 =	sand.u32 $0x4000, s31;
	s1 =	sadd.s32 s1, s30  }
0xbb: {  	s0 =	sor.u32 s3, s0;
	s1 =	sshll.u32 s1, $0x11  }
0xbc: {  	s0 =	sor.u32 s1, s0  }
0xbd: {  	s0 =	sadd.s32 $0x8F2B, s0  }
0xbe: {  	[sflag:s0] =	ssyncadd.remote.s32 $0x1  }
0xbf: {  	_ =	sfence.sel $0xFFFF  }
0xc0: {  	[dreg:$0x0] =	wrdreg $0xFFFFFFFF;
	(pc) =	sbr.abs _section_cstart, $3  }
0xc1: {  	[dreg:$0x1] =	wrdreg $0xFFFFFFFF  }
0xc2: {  	_ =	task.clear_ibuf [dreg:s7], $0x2FFFF;
	_ =	strace $0x9FFFFFFF  }
0xc3: {  	(tm) =	ssettm $0x7FFFFFFF  }
tec
execute0_lowered:
.L_overlay_start_1:
0x0: {  	(tag) =	ssettag $0x1  }
0x1: {  	s1 =	rddreg [dreg:$0x0];
	s2 =	srdreg.scid  }
0x2: {  	s0 =	stileid.u32;
	s10 =	rddreg [dreg:$0x1];
	s15 =	simm.s32 $0x80  }
0x3: {  	s16 =	simm.s32 $0x14900;
	s18 =	simm.s32 $0x18900;
	s19 =	simm.s32 $0x1  }
0x4: {  	s20 =	simm.s32 $0x2;
	s21 =	simm.s32 $0x3;
	s7 =	smul.u32 $0x2280, s0  }
0x5: {  	s22 =	simm.s32 $0x4;
	s4 =	sand.u32 $0x1, s2;
	s9 =	smul.u32 $0x45000, s0  }
0x6: {  	s3 =	sshll.u32 s0, $0x1;
	s2 =	rddreg [dreg:$0x2];
	s24 =	smul.u32 $0x190000, s0  }
0x7: {  	s26 =	sshll.u32 s0, $0x6;
	s6 =	sor.u32 s4, s3;
	s28 =	smul.u32 $0xC8000, s4  }
0x8: {  	s3 =	simm.s32 $0x0;
	s8 =	ssub.s32 $0x2, s4;
	s5 =	smul.u32 $0x320, s6  }
0x9: {  	[smem:$0x7FF] =	sst s3;
	s23 =	sshrl.u32 s8, $0x1;
	s12 =	smul.u32 $0xC8000, s6  }
0xa: {  	s25 =	sshrl.u32 s9, $0x2;
	s29 =	smul.u32 $0x19000, s6;
	_ =	strace $0x80000047  }
0xb: {  	s13 =	ssub.s32 s8, s23;
	s14 =	sadd.s32 s25, s2;
	s23 =	simm.s32 $0x0  }
0xc: {  	s11 =	sadd.s32 s5, s1;
	s1 =	sadd.s32 s7, s1;
	s5 =	sor.u32 $0x1C05, s26  }
0xd: {  	s30 =	sshrl.u32 s12, $0x3;
	s7 =	sadd.s32 s28, s24;
	s12 =	simm.s32 $0x6  }
0xe: {  	v0 =	vlaneseq.u32;
	s4 =	sadd.s32 $0x6C00, s1;
	s6 =	sadd.s32 $0x800, s11;
	s8 =	sadd.s32 s10, s30  }
0xf: {  	v0 =	vmul.u32 $0xC8, v0;
	s9 =	sor.u32 $0x4000, s7;
	s7 =	sadd.s32 s10, s29;
	s11 =	sshrl.u32 s14, $0x3  }
0x10: {  	s14 =	simm.s32 $0x5;
	s8 =	sadd.s32 $0x18800, s8;
	s31 =	sshrl.u32 s9, $0x3  }
0x11: {  	v2 =	vimm.s32 $0x0;
	v1 =	vadd.s32 $0xC80, v0;
	s9 =	smax.u32 s13, $0x1;
	s13 =	simm.s32 $0x1900;
	s10 =	sadd.s32 s31, s10  }
.LBB2_1:
0x12: {  	[spmem:s11], [sflag:s5] =	dma.local [hbm:s4], $0x2280  }
0x13: {  	[tilespmem:s3], [sflag:$0x6] =	stream.linear.gather [hbm4b:s6+s3], $0x1900, $0x38;
	[tilespmem:$0x1C900] =	vst v63  }
0x14: {  	_ =	swait.ge [sflag:s12], $0x1900  }
0x15: {  	[sflag:s12] =	ssyncset.done $0x0  }
0x16: {  	[sflag:s12] =	ssyncadd.s32 $0xFFFFE700  }
0x17: {  	v4 =	vld.idx.msk [tilespmem:v0+s3+$0x0], $0xffff;
	_ =	sdelay $0x4  }
0x18: {  	v3 =	vmul.u32 $0xC8, v4;
	_ =	sdelay $0x1  }
0x19: {  	[tilespmem:v0+s13+$0x0] =	vst.idx.msk $0xffff, v3  }
0x1a: {  	v6 =	vld.idx.msk [tilespmem:v1+s3+$0x0], $0xffff;
	_ =	sdelay $0x2  }
0x1b: {  	v7 =	vadd.s32 s19, v0;
	_ =	sdelay $0x1  }
0x1c: {  	v3 =	vmul.u32 $0xC8, v6;
	_ =	sdelay $0x1  }
0x1d: {  	[tilespmem:v1+s13+$0x0] =	vst.idx.msk $0xffff, v3  }
0x1e: {  	v3 =	vld.idx.msk [tilespmem:v7+s3+$0x0], $0xffff;
	_ =	sdelay $0x4  }
0x1f: {  	v5 =	vadd.s32 $0xFFFFFFDC, v3  }
0x20: {  	vm0 =	vlt.u32 v5, $0x6  }
0x21: {  	v9 =	vsel vm0, $0x2, v2  }
0x22: {  	vm9 =	vgt.s32 v4, $0xB;
	vm2 =	vlt.s32 v3, $0xC;
	vm1 =	vgt.s32 v9, $0x0  }
0x23: {  	vm3 =	vlt.s32 v4, $0xC;
	vm10 =	vmneg vm2;
	vm0 =	vmor vm9, vm1  }
0x24: {  	vm1 =	vmand vm10, vm3;
	vm0 =	vmand vm2, vm0  }
0x25: {  	v8 =	vadd.s32 s19, v1;
	vm0 =	vmor vm0, vm1  }
0x26: {  	v10 =	vmul.u32 $0xC8, v3;
	v4 =	vsel vm0, $0x1, v2  }
0x27: {  	v5 =	vadd.s32 v4, v2  }
0x28: {  	v4 =	vadd.s32 v10, v5  }
0x29: {  	[tilespmem:v7+s13+$0x0] =	vst.idx.msk $0xffff, v4  }
0x2a: {  	v4 =	vld.idx.msk [tilespmem:v8+s3+$0x0], $0xffff;
	_ =	sdelay $0x4  }
0x2b: {  	v7 =	vadd.s32 $0xFFFFFFDC, v4  }
0x2c: {  	vm11 =	vlt.u32 v7, $0x6  }
0x2d: {  	v7 =	vsel vm11, $0x2, v2  }
0x2e: {  	vm12 =	vgt.s32 v6, $0xB;
	vm14 =	vlt.s32 v4, $0xC;
	vm13 =	vgt.s32 v7, $0x0  }
0x2f: {  	vm4 =	vlt.s32 v6, $0xC;
	vm15 =	vmneg vm14;
	vm0 =	vmor vm12, vm13  }
0x30: {  	vm1 =	vmand vm15, vm4;
	vm0 =	vmand vm14, vm0  }
0x31: {  	vm0 =	vmor vm0, vm1  }
0x32: {  	s24 =	simm.s32 $0x2;
	v6 =	vsel vm2, $0xFFFFFFFF, v2;
	v10 =	vsel vm0, $0x1, v2  }
0x33: {  	v9 =	vadd.s32 v6, v9;
	v6 =	vadd.s32 v10, v2;
	v10 =	vadd.s32 s24, v0  }
0x34: {  	v11 =	vmul.u32 $0xC8, v4  }
0x35: {  	v12 =	vsel vm14, $0xFFFFFFFF, v2  }
0x36: {  	s25 =	simm.s32 $0x3;
	v7 =	vadd.s32 v12, v7;
	v11 =	vadd.s32 v11, v6  }
.LBB2_2:
0x37: {  	p0 =	sne.s32 s25, $0xC7;
	[tilespmem:v8+s13+$0x0] =	vst.idx.msk $0xffff, v11;
	s1 =	smov.u32 s25;
	s25 =	sadd.s32 $0x1, s25  }
0x38: {  	v11 =	vld.idx.msk [tilespmem:v10+s3+$0x0], $0xffff;
	_ =	sdelay $0x5  }
0x39: {  	v8 =	vadd.s32 $0xFFFFFFDC, v11  }
0x3a: {  	vm0 =	vlt.u32 v8, $0x6  }
0x3b: {  	v8 =	vsel vm0, $0x2, v9;
	vm0 =	vlt.s32 v3, $0xC  }
0x3c: {  	vm1 =	vgt.s32 v3, $0xB;
	vm3 =	vlt.s32 v11, $0xC;
	v3 =	vmovc v11;
	vm2 =	vgt.s32 v8, $0x0  }
0x3d: {  	v9 =	vsel vm3, $0xFFFFFFFF, v2;
	vm1 =	vmor vm1, vm2;
	vm2 =	vmneg vm3  }
0x3e: {  	v9 =	vadd.s32 v9, v8;
	vm1 =	vmand vm3, vm1;
	vm0 =	vmand vm2, vm0  }
0x3f: {  	v8 =	vadd.s32 s24, v1;
	s24 =	smov.u32 s1;
	vm0 =	vmor vm1, vm0  }
0x40: {  	v11 =	vmul.u32 $0xC8, v11;
	v12 =	vsel vm0, $0x1, v2  }
0x41: {  	v5 =	vadd.s32 v12, v5  }
0x42: {  	v11 =	vadd.s32 v11, v5  }
0x43: {  	[tilespmem:v10+s13+$0x0] =	vst.idx.msk $0xffff, v11  }
0x44: {  	v11 =	vld.idx.msk [tilespmem:v8+s3+$0x0], $0xffff;
	_ =	sdelay $0x5  }
0x45: {  	v10 =	vadd.s32 $0xFFFFFFDC, v11  }
0x46: {  	vm0 =	vlt.u32 v10, $0x6  }
0x47: {  	v7 =	vsel vm0, $0x2, v7;
	vm0 =	vlt.s32 v4, $0xC  }
0x48: {  	vm1 =	vgt.s32 v4, $0xB;
	vm3 =	vlt.s32 v11, $0xC;
	v4 =	vmovc v11;
	vm2 =	vgt.s32 v7, $0x0  }
0x49: {  	v10 =	vsel vm3, $0xFFFFFFFF, v2;
	vm1 =	vmor vm1, vm2;
	vm2 =	vmneg vm3  }
.Ltmp0:
0x4a: {  	v7 =	vadd.s32 v10, v7;
	vm1 =	vmand vm3, vm1;
	vm0 =	vmand vm2, vm0;
	(pc) =	sbr.rel @p0 .LBB2_2-.Ltmp0, $4  }
0x4b: {  	v10 =	vadd.s32 s24, v0;
	vm0 =	vmor vm1, vm0  }
0x4c: {  	v11 =	vmul.u32 $0xC8, v11;
	v12 =	vsel vm0, $0x1, v2  }
0x4d: {  	v6 =	vadd.s32 v12, v6  }
0x4e: {  	v11 =	vadd.s32 v11, v6  }
0x4f: {  	_ =	sdelay $0x3  }
0x50: {  	[tilespmem:v8+s13+$0x0] =	vst.idx.msk $0xffff, v11  }
0x51: {  	v8 =	vld.idx.msk [tilespmem:v10+s3+$0x0], $0xffff;
	_ =	sdelay $0x4  }
0x52: {  	v60 =	vadd.s32 $0xFFFFFFDC, v8  }
0x53: {  	vm0 =	vlt.u32 v60, $0x6  }
0x54: {  	v9 =	vsel vm0, $0x2, v9  }
0x55: {  	vm8 =	vgt.s32 v3, $0xB;
	vm2 =	vlt.s32 v8, $0xC;
	vm1 =	vgt.s32 v9, $0x0  }
0x56: {  	vm3 =	vlt.s32 v3, $0xC;
	vm9 =	vmneg vm2;
	vm0 =	vmor vm8, vm1  }
0x57: {  	vm1 =	vmand vm9, vm3;
	vm0 =	vmand vm2, vm0  }
0x58: {  	v3 =	vadd.s32 s24, v1;
	vm0 =	vmor vm0, vm1  }
0x59: {  	v8 =	vmul.u32 $0xC8, v8;
	v61 =	vsel vm0, $0x1, v2  }
0x5a: {  	v5 =	vadd.s32 v61, v5  }
0x5b: {  	v5 =	vadd.s32 v8, v5  }
0x5c: {  	[tilespmem:v10+s13+$0x0] =	vst.idx.msk $0xffff, v5  }
0x5d: {  	v5 =	vld.idx.msk [tilespmem:v3+s3+$0x0], $0xffff;
	_ =	sdelay $0x4  }
0x5e: {  	v62 =	vadd.s32 $0xFFFFFFDC, v5  }
0x5f: {  	vm10 =	vlt.u32 v62, $0x6  }
0x60: {  	v7 =	vsel vm10, $0x2, v7  }
0x61: {  	vm11 =	vgt.s32 v4, $0xB;
	vm13 =	vlt.s32 v5, $0xC;
	vm12 =	vgt.s32 v7, $0x0  }
0x62: {  	vm14 =	vlt.s32 v4, $0xC;
	vm15 =	vmneg vm13;
	vm0 =	vmor vm11, vm12  }
0x63: {  	vm1 =	vmand vm15, vm14;
	vm0 =	vmand vm13, vm0  }
0x64: {  	vm0 =	vmor vm0, vm1  }
0x65: {  	v5 =	vmul.u32 $0xC8, v5;
	v63 =	vsel vm0, $0x1, v2  }
0x66: {  	v4 =	vadd.s32 v63, v6  }
0x67: {  	v4 =	vadd.s32 v5, v4  }
0x68: {  	[tilespmem:v3+s13+$0x0] =	vst.idx.msk $0xffff, v4  }
0x69: {  	_ =	swait.ge [sflag:s14], $0x2280  }
0x6a: {  	[sflag:s14] =	ssyncset.done $0x0  }
0x6b: {  	[sflag:s14] =	ssyncadd.s32 $0xFFFFDD80  }
0x6c: {  	[bflag:$0x0] =	sbarrier.arrive $0xFFFF  }
0x6d: {  	[tilespmem:s16], [sflag:$0x1] =	stream.indirect.gather [spmem:s2], $0x80, s13, s15, $0xb8;
	[tilespmem:$0x1C900] =	vst v63  }
0x6e: {  	s0 =	simm.s32 $0x1980;
	s1 =	simm.s32 $0x2  }
0x6f: {  	[tilespmem:s18], [sflag:$0x2] =	stream.indirect.gather [spmem:s2], $0x80, s0, s15, $0xb8;
	[tilespmem:$0x1C900] =	vst v63  }
0x70: {  	s1 =	sand.u32 $0x1, s1;
	_ =	swait.ge [sflag:s19], $0x4000  }
0x71: {  	p1 =	seq.s32 s1, $0x1;
	[sflag:s19] =	ssyncset.done $0x0  }
0x72: {  	s24 =	simm.s32 @p1 $0x4;
	[sflag:s19] =	ssyncadd.s32 $0xFFFFC000  }
0x73: {  	[hbm4b:s7+s3] =	stream.linear.scatter [tilespmem:s16], [sflag:$0x3], $0x4000, $0x38;
	[tilespmem:$0x1C900] =	vst v63  }
0x74: {  	_ =	swait.ge @p1 [sflag:s24], $0x4000  }
0x75: {  	s25 =	simm.s32 $0x1A00;
	s26 =	simm.s32 @!p1 $0x3;
	[sflag:s24] =	ssyncset.done @p1 $0x0  }
0x76: {  	s28 =	simm.s32 @p1 $0x18900;
	[sflag:s24] =	ssyncadd.s32 @p1 $0xFFFFC000;
	s24 =	simm.s32 @p1 $0x80  }
0x77: {  	[tilespmem:s28], [sflag:$0x2] =	stream.indirect.gather @p1 [spmem:s2], $0x80, s25, s24, $0xb8;
	[tilespmem:$0x1C900] =	vst v63  }
0x78: {  	p0 =	seq.s32 s1, $0x0;
	s1 =	simm.s32 @!p1 $0x80;
	_ =	swait.ge @!p1 [sflag:s26], $0x4000  }
0x79: {  	s29 =	simm.s32 @p0 $0x2;
	s30 =	simm.s32 @!p0 $0x1;
	[sflag:s26] =	ssyncset.done @!p1 $0x0  }
0x7a: {  	s31 =	simm.s32 @!p0 $0x14900;
	s24 =	simm.s32 @!p1 $0x14900;
	[sflag:s26] =	ssyncadd.s32 @!p1 $0xFFFFC000  }
0x7b: {  	[tilespmem:s24], [sflag:$0x1] =	stream.indirect.gather @!p1 [spmem:s2], $0x80, s25, s1, $0xb8;
	[tilespmem:$0x1C900] =	vst v63  }
0x7c: {  	s28 =	simm.s32 $0x3;
	s26 =	simm.s32 $0x4;
	_ =	swait.ge @p0 [sflag:s29], $0x4000  }
0x7d: {  	s25 =	simm.s32 $0x1A80;
	s24 =	sadd.s32 $0x800, s10;
	[sflag:s29] =	ssyncset.done @p0 $0x0  }
0x7e: {  	s1 =	simm.s32 @p0 $0x0;
	[sflag:s29] =	ssyncadd.s32 @p0 $0xFFFFC000;
	s29 =	simm.s32 @p0 $0x18900  }
0x7f: {  	[hbm4b:s10+s1] =	stream.linear.scatter @p0 [tilespmem:s29], [sflag:$0x4], $0x4000, $0x38;
	[tilespmem:$0x1C900] =	vst v63  }
0x80: {  	s29 =	sand.u32 $0x1, s28;
	s1 =	simm.s32 @!p0 $0x0;
	_ =	swait.ge @!p0 [sflag:s30], $0x4000  }
0x81: {  	s28 =	smov.u32 s10;
	p1 =	seq.s32 s29, $0x1;
	[sflag:s30] =	ssyncset.done @!p0 $0x0  }
.LBB2_4:
0x82: {  	s0 =	simm.s32 @p1 $0x4  }
0x83: {  	[sflag:s30] =	ssyncadd.s32 @!p0 $0xFFFFC000;
	s17 =	smov.u32 s26;
	s26 =	sadd.s32 $0x1, s26  }
0x84: {  	[hbm4b:s28+s1] =	stream.linear.scatter @!p0 [tilespmem:s31], [sflag:$0x3], $0x4000, $0x38;
	[tilespmem:$0x1C900] =	vst v63  }
0x85: {  	p2 =	sne.s32 s26, $0x32;
	s28 =	smov.u32 s24;
	_ =	swait.ge @p1 [sflag:s0], $0x4000  }
0x86: {  	s1 =	simm.s32 @!p1 $0x3;
	[sflag:s0] =	ssyncset.done @p1 $0x0  }
0x87: {  	s30 =	simm.s32 @p1 $0x18900;
	[sflag:s0] =	ssyncadd.s32 @p1 $0xFFFFC000;
	s0 =	simm.s32 @p1 $0x80  }
0x88: {  	[tilespmem:s30], [sflag:$0x2] =	stream.indirect.gather @p1 [spmem:s2], $0x80, s25, s0, $0xb8;
	[tilespmem:$0x1C900] =	vst v63  }
0x89: {  	_ =	swait.ge @!p1 [sflag:s1], $0x4000  }
0x8a: {  	p0 =	seq.s32 s29, $0x0;
	s0 =	simm.s32 @!p1 $0x14900;
	[sflag:s1] =	ssyncset.done @!p1 $0x0  }
0x8b: {  	s29 =	simm.s32 @p0 $0x2;
	[sflag:s1] =	ssyncadd.s32 @!p1 $0xFFFFC000;
	s1 =	simm.s32 @!p1 $0x80  }
0x8c: {  	[tilespmem:s0], [sflag:$0x1] =	stream.indirect.gather @!p1 [spmem:s2], $0x80, s25, s1, $0xb8;
	[tilespmem:$0x1C900] =	vst v63  }
0x8d: {  	s24 =	sadd.s32 $0x800, s24;
	s25 =	sadd.s32 $0x80, s25;
	_ =	swait.ge @p0 [sflag:s29], $0x4000  }
.Ltmp1:
0x8e: {  	s30 =	simm.s32 @!p0 $0x1;
	[sflag:s29] =	ssyncset.done @p0 $0x0;
	(pc) =	sbr.rel @p2 .LBB2_4-.Ltmp1, $4  }
0x8f: {  	s0 =	simm.s32 @p0 $0x0;
	s1 =	simm.s32 @p0 $0x18900;
	[sflag:s29] =	ssyncadd.s32 @p0 $0xFFFFC000  }
0x90: {  	[hbm4b:s28+s0] =	stream.linear.scatter @p0 [tilespmem:s1], [sflag:$0x4], $0x4000, $0x38;
	[tilespmem:$0x1C900] =	vst v63  }
0x91: {  	s31 =	simm.s32 @!p0 $0x14900;
	s29 =	sand.u32 $0x1, s17;
	_ =	swait.ge @!p0 [sflag:s30], $0x4000  }
0x92: {  	p1 =	seq.s32 s29, $0x1;
	s1 =	simm.s32 @!p0 $0x0;
	[sflag:s30] =	ssyncset.done @!p0 $0x0  }
0x93: {  	s0 =	simm.s32 @p1 $0x4;
	[sflag:s30] =	ssyncadd.s32 @!p0 $0xFFFFC000  }
0x94: {  	[hbm4b:s28+s1] =	stream.linear.scatter @!p0 [tilespmem:s31], [sflag:$0x3], $0x4000, $0x38;
	[tilespmem:$0x1C900] =	vst v63  }
0x95: {  	_ =	swait.ge @p1 [sflag:s0], $0x4000  }
0x96: {  	s17 =	simm.s32 @p1 $0x18900;
	[sflag:s0] =	ssyncset.done @p1 $0x0  }
0x97: {  	s1 =	simm.s32 @!p1 $0x3;
	[sflag:s0] =	ssyncadd.s32 @p1 $0xFFFFC000;
	s0 =	simm.s32 @p1 $0x80  }
0x98: {  	[tilespmem:s17], [sflag:$0x2] =	stream.indirect.gather @p1 [spmem:s2], $0x80, s25, s0, $0xb8;
	[tilespmem:$0x1C900] =	vst v63  }
0x99: {  	_ =	swait.ge @!p1 [sflag:s1], $0x4000  }
0x9a: {  	p0 =	seq.s32 s29, $0x0;
	s0 =	simm.s32 @!p1 $0x14900;
	[sflag:s1] =	ssyncset.done @!p1 $0x0  }
0x9b: {  	s17 =	simm.s32 @p0 $0x2;
	[sflag:s1] =	ssyncadd.s32 @!p1 $0xFFFFC000;
	s1 =	simm.s32 @!p1 $0x80  }
0x9c: {  	[tilespmem:s0], [sflag:$0x1] =	stream.indirect.gather @!p1 [spmem:s2], $0x80, s25, s1, $0xb8;
	[tilespmem:$0x1C900] =	vst v63  }
0x9d: {  	_ =	swait.ge @p0 [sflag:s17], $0x4000  }
0x9e: {  	s0 =	simm.s32 @!p0 $0x1;
	[sflag:s17] =	ssyncset.done @p0 $0x0  }
0x9f: {  	s1 =	simm.s32 @p0 $0x0;
	[sflag:s17] =	ssyncadd.s32 @p0 $0xFFFFC000;
	s17 =	simm.s32 @p0 $0x18900  }
0xa0: {  	[hbm4b:s24+s1] =	stream.linear.scatter @p0 [tilespmem:s17], [sflag:$0x4], $0x4000, $0x38;
	[tilespmem:$0x1C900] =	vst v63  }
0xa1: {  	_ =	swait.ge @!p0 [sflag:s0], $0x4000  }
0xa2: {  	[sflag:s0] =	ssyncset.done @!p0 $0x0  }
0xa3: {  	s1 =	simm.s32 @!p0 $0x14900;
	s17 =	simm.s32 @!p0 $0x0;
	[sflag:s0] =	ssyncadd.s32 @!p0 $0xFFFFC000  }
0xa4: {  	[hbm4b:s24+s17] =	stream.linear.scatter @!p0 [tilespmem:s1], [sflag:$0x3], $0x4000, $0x38;
	[tilespmem:$0x1C900] =	vst v63  }
0xa5: {  	_ =	swait.ge [sflag:s20], $0x4000  }
0xa6: {  	[sflag:s20] =	ssyncset.done $0x0  }
0xa7: {  	s23 =	sadd.s32 $0x1, s23;
	[sflag:s20] =	ssyncadd.s32 $0xFFFFC000  }
0xa8: {  	[hbm4b:s8+s3] =	stream.linear.scatter [tilespmem:s18], [sflag:$0x4], $0x4000, $0x38;
	[tilespmem:$0x1C900] =	vst v63  }
0xa9: {  	p0 =	sne.s32 s23, s9;
	_ =	swait.ge [sflag:s21], $0x4000  }
.Ltmp2:
0xaa: {  	[sflag:s21] =	ssyncset.done $0x0;
	(pc) =	sbr.rel @p0 .LBB2_1-.Ltmp2, $4  }
0xab: {  	[sflag:s21] =	ssyncadd.s32 $0xFFFFC000  }
0xac: {  	_ =	swait.ge [sflag:s22], $0x4000  }
0xad: {  	[sflag:s22] =	ssyncset.done $0x0  }
0xae: {  	[sflag:s22] =	ssyncadd.s32 $0xFFFFC000  }
0xaf: {  	_ =	sfence.sel $0x180000  }
0xb0: {  	[bflag:$0x0] =	sbarrier.arrive $0xFFFF  }
0xb1: {  	_ =	strace $0x90000047  }
0xb2: {  	s0 =	stileid.u32;
	[bflag:$0x2] =	sbarrier.arrive $0xFFFF  }
0xb3: {  	p0 =	sne.s32 s0, $0x0;
	s0 =	rddreg [dreg:$0x3]  }
0xb4: {  	s0 =	sadd.s32 @!p0 $0x100000, s0  }
0xb5: {  	[sflag:s0] =	ssyncadd.tile.s32 @!p0 $0x1;
	_ =	shalt  }
.Lfunc_end2:
_tile_overlayer_lowered:
.L_overlay_start_2:
0xb6: {  	(tag) =	ssettag $0x2  }
0xb7: {  	s0 =	rddreg [dreg:$0x0];
	s2 =	stileid.u32  }
0xb8: {  	s1 =	rddreg [dreg:$0x1];
	p0 =	sne.s32 s2, $0x0  }
0xb9: {  	s3 =	rddreg [dreg:$0x2];
	[bflag:$0x3] =	sbarrier.arrive $0xFFFF;
	s2 =	simm.s32 @!p0 $0x1C06  }
0xba: {  	[timem:s3], [sflag:s2] =	dma.local @!p0 [hbm:s0], s1  }
0xbb: {  	s0 =	simm.s32 @!p0 $0x6  }
0xbc: {  	_ =	swait.ge @!p0 [sflag:s0], s1  }
0xbd: {  	s1 =	ssub.s32 @!p0 $0x0, s1;
	[sflag:s0] =	ssyncset.done @!p0 $0x0  }
0xbe: {  	[sflag:s0] =	ssyncadd.s32 @!p0 s1  }
0xbf: {  	[bflag:$0x3] =	sbarrier.arrive $0xFFFF  }
0xc0: {  	_ =	shalt  }

</sc_bundles>
